<compile_context>
chip_gen: v7x
topology: tpu7x:2x2x1
jax: 0.10.2.dev20260603
libtpu: 0.0.44.dev20260713+nightly
codegen_flags: <defaults>
</compile_context>

<pallas_src>
import functools

import jax
import jax.numpy as jnp
from jax import lax
from jax.experimental import pallas as pl
from jax.experimental.pallas import tpu as pltpu
from jax.experimental.pallas import tpu_sc as plsc

_N_STIMULI = 30
_N_DIM = 10
_BATCH = 16384
_BETA = 3.0
_MIDPOINT = 0.5
_RATE = 5.0

_LANES = 16
_NUM_WORKERS = 32
_BPW = _BATCH // _NUM_WORKERS
_TROWS = 32
_TCOLS = 16
_NCONST = _TROWS * _TCOLS + _N_DIM * _LANES


@functools.partial(
    pl.kernel,
    mesh=plsc.VectorSubcoreMesh(core_axis_name="c", subcore_axis_name="s"),
    compiler_params=pltpu.CompilerParams(needs_layout_passes=False),
    out_type=jax.ShapeDtypeStruct((_BATCH,), jnp.float32),
    scratch_types=[
        pltpu.VMEM((_NCONST,), jnp.float32),
        pltpu.VMEM((_BPW,), jnp.float32),
        pltpu.VMEM((_BPW,), jnp.float32),
        pltpu.SemaphoreType.DMA,
        pltpu.SemaphoreType.DMA,
    ],
)
def _rate_sim_sc(packed_hbm, out_hbm, const_ref, ij_ref, o_ref, sem0, sem1):
    nc = 2
    wid = lax.axis_index("s") * nc + lax.axis_index("c")
    base = wid * _BPW

    cp0 = pltpu.async_copy(packed_hbm.at[pl.ds(0, _NCONST)], const_ref, sem0)
    cp1 = pltpu.async_copy(
        packed_hbm.at[pl.ds(_NCONST + base, _BPW)], ij_ref, sem1)
    cp0.wait()
    cp1.wait()

    wbase = _TROWS * _TCOLS
    wvecs = [
        const_ref[pl.ds(wbase + d * _LANES, _LANES)] for d in range(_N_DIM)
    ]

    @plsc.parallel_loop(0, _BPW // _LANES, unroll=2)
    def _chunk(c):
        off = c * _LANES
        pv = plsc.bitcast(ij_ref[pl.ds(off, _LANES)], jnp.int32)
        ia = (pv >> 5) * _TCOLS
        ja = (pv & 31) * _TCOLS
        acc = jnp.zeros((_LANES,), jnp.float32)
        for d in range(_N_DIM):
            za = plsc.load_gather(const_ref, [ia + d])
            zb = plsc.load_gather(const_ref, [ja + d])
            df = za - zb
            acc = acc + wvecs[d] * df * df
        acc = jnp.maximum(acc, jnp.float32(1e-30))
        bits = lax.bitcast_convert_type(acc, jnp.int32)
        y = lax.bitcast_convert_type(
            jnp.int32(0x5F3759DF) - (bits >> 1), jnp.float32)
        for _ in range(3):
            y = y * (1.5 - 0.5 * acc * y * y)
        dist = acc * y
        s = jnp.exp(-_BETA * dist)
        prob = 1.0 / (1.0 + jnp.exp(_RATE * _MIDPOINT - _RATE * s))
        o_ref[pl.ds(off, _LANES)] = prob

    pltpu.sync_copy(o_ref, out_hbm.at[pl.ds(base, _BPW)])


def kernel(inputs, table, w):
    tab = jnp.zeros((_TROWS, _TCOLS), jnp.float32)
    tab = tab.at[: _N_STIMULI + 1, : _N_DIM].set(table)
    wb = jnp.broadcast_to(w.astype(jnp.float32)[:, None], (_N_DIM, _LANES))
    pij = inputs[:, 0].astype(jnp.int32) * 32 + inputs[:, 1].astype(jnp.int32)
    packed = jnp.concatenate([
        tab.reshape(-1),
        wb.reshape(-1),
        lax.bitcast_convert_type(pij, jnp.float32),
    ])
    return _rate_sim_sc(packed)

# --- scband reference (transcript-rebuilt; emitter-appended) ---
"""Pipeline reference for scband-rate-model-a-38869454029488 (READ-ONLY COPY).

The authoritative reference and input builder live on the scoring server;
editing this copy changes nothing except your own understanding.
"""

import jax, jax.numpy as jnp
import numpy as np

N_STIMULI = 30
N_DIM = 10
BATCH = 16384
# Minkowski kernel (fixed, non-trainable per initializers)
RHO = 2.0
# ExponentialSimilarity (fixed)
BETA = 3.0
TAU = 1.0
GAMMA = 0.0
# RateSimilarity logistic link defaults (psiz)
LOWER = 0.0
UPPER = 1.0
MIDPOINT = 0.5
RATE = 5.0


def setup_inputs(seed: int = 0) -> dict:
    key = jax.random.key(seed)
    k1, k2, k3 = jax.random.split(key, 3)
    # stimulus pair indices in [0, 30]; ensure the two members of each pair differ
    # so the Minkowski distance is never exactly zero (matches realistic rate trials)
    i = jax.random.randint(k1, (BATCH,), 0, N_STIMULI + 1)
    off = jax.random.randint(k2, (BATCH,), 1, N_STIMULI + 1)
    j = jnp.mod(i + off, N_STIMULI + 1)
    inputs = jnp.stack([i, j], axis=1).astype(jnp.int32)  # [B, 2]
    # percept embedding table (n_stimuli+1, n_dim); row 0 is the mask row
    table = jax.random.normal(k3, (N_STIMULI + 1, N_DIM), dtype=jnp.float32) * 0.17
    # Minkowski per-dimension weights, initialized to 1.0 (non-trainable)
    w = jnp.ones((N_DIM,), dtype=jnp.float32)
    return {"inputs": inputs, "table": table, "w": w}


def reference(inputs, table, w):
    # percept: embedding lookup for both stimuli in each pair
    z = jnp.take(table, inputs, axis=0)  # [B, 2, D]
    z0 = z[:, 0, :]
    z1 = z[:, 1, :]
    # Minkowski distance with rho=2, w=1
    d = jnp.power(jnp.sum(w * jnp.power(jnp.abs(z0 - z1), RHO), axis=-1), 1.0 / RHO)  # [B]
    # ExponentialSimilarity: exp(-beta * d^tau) + gamma
    s = jnp.exp(-BETA * jnp.power(d, TAU)) + GAMMA  # [B]
    # RateSimilarity logistic link: lower + (upper-lower)/(1+exp(-rate*(s-midpoint)))
    prob = LOWER + (UPPER - LOWER) / (1.0 + jnp.exp(-RATE * (s - MIDPOINT)))  # [B]
    return prob

if __name__ == "__main__":
    import jax
    _d = setup_inputs()
    print(jax.jit(kernel)(*tuple(_d.values())))

</pallas_src>

<mosaic_0001>
#map = affine_map<(d0, d1) -> (0)>
module attributes {stable_mosaic.version = 14 : i64} {
  func.func @_rate_sim_sc(%arg0: i32, %arg1: i32, %arg2: memref<17056xf32, #tpu.memory_space<hbm>>, %arg3: memref<16384xf32, #tpu.memory_space<hbm>>, %arg4: memref<672xf32, #tpu.memory_space<vmem>>, %arg5: memref<512xf32, #tpu.memory_space<vmem>>, %arg6: memref<512xf32, #tpu.memory_space<vmem>>, %arg7: memref<!tpu.dma_semaphore, #tpu.memory_space<semaphore_mem>>, %arg8: memref<!tpu.dma_semaphore, #tpu.memory_space<semaphore_mem>>) attributes {dimension_semantics = [#tpu.dimension_semantics<core_parallel>, #tpu.dimension_semantics<subcore_parallel>], iteration_bounds = array<i64: 2, 16>, scalar_prefetch = 0 : i64, scratch_operands = 5 : i64, tpu.core_type = #tpu.core_type<sc_vector_subcore>, window_params = [{transform_indices = #map}, {transform_indices = #map}]} {
    %mul3A = arith.constant 2 : i32
    %mul3A_0 = arith.muli %arg1, %mul3A : i32
    %add3A = arith.addi %mul3A_0, %arg0 : i32
    %mul3A_1 = arith.constant 512 : i32
    %mul3A_2 = arith.muli %add3A, %mul3A_1 : i32
    %dma_start3A = arith.constant 0 : i32
    %dma_start3A_3 = tpu.memref_slice %arg2[%dma_start3A] : memref<17056xf32, #tpu.memory_space<hbm>> -> memref<672xf32, #tpu.memory_space<hbm>>
    %dma_start3A_4 = arith.constant 0 : i32
    %dma_start3A_5 = tpu.memref_slice %arg2[%dma_start3A_4] : memref<17056xf32, #tpu.memory_space<hbm>> -> memref<672xf32, #tpu.memory_space<hbm>>
    tpu.enqueue_dma source(%dma_start3A_5 : memref<672xf32, #tpu.memory_space<hbm>>) target(%arg4 : memref<672xf32, #tpu.memory_space<vmem>>) target_semaphore(%arg7 : memref<!tpu.dma_semaphore, #tpu.memory_space<semaphore_mem>>)
    %add3A_6 = arith.constant 672 : i32
    %add3A_7 = arith.addi %add3A_6, %mul3A_2 : i32
    %dma_start3A_8 = tpu.memref_slice %arg2[%add3A_7] : memref<17056xf32, #tpu.memory_space<hbm>> -> memref<512xf32, #tpu.memory_space<hbm>>
    %dma_start3A_9 = tpu.memref_slice %arg2[%add3A_7] : memref<17056xf32, #tpu.memory_space<hbm>> -> memref<512xf32, #tpu.memory_space<hbm>>
    tpu.enqueue_dma source(%dma_start3A_9 : memref<512xf32, #tpu.memory_space<hbm>>) target(%arg5 : memref<512xf32, #tpu.memory_space<vmem>>) target_semaphore(%arg8 : memref<!tpu.dma_semaphore, #tpu.memory_space<semaphore_mem>>)
    %dma_wait3A = arith.constant 0 : i32
    %dma_wait3A_10 = tpu.memref_slice %arg2[%dma_wait3A] : memref<17056xf32, #tpu.memory_space<hbm>> -> memref<672xf32, #tpu.memory_space<hbm>>
    %dma_wait3A_11 = arith.constant 0 : i32
    %dma_wait3A_12 = tpu.memref_slice %arg2[%dma_wait3A_11] : memref<17056xf32, #tpu.memory_space<hbm>> -> memref<672xf32, #tpu.memory_space<hbm>>
    tpu.wait_dma2 semaphore(%arg7 : memref<!tpu.dma_semaphore, #tpu.memory_space<semaphore_mem>>) src(%dma_wait3A_12 : memref<672xf32, #tpu.memory_space<hbm>>) dst(%arg4 : memref<672xf32, #tpu.memory_space<vmem>>)
    %dma_wait3A_13 = tpu.memref_slice %arg2[%add3A_7] : memref<17056xf32, #tpu.memory_space<hbm>> -> memref<512xf32, #tpu.memory_space<hbm>>
    %dma_wait3A_14 = tpu.memref_slice %arg2[%add3A_7] : memref<17056xf32, #tpu.memory_space<hbm>> -> memref<512xf32, #tpu.memory_space<hbm>>
    tpu.wait_dma2 semaphore(%arg8 : memref<!tpu.dma_semaphore, #tpu.memory_space<semaphore_mem>>) src(%dma_wait3A_14 : memref<512xf32, #tpu.memory_space<hbm>>) dst(%arg5 : memref<512xf32, #tpu.memory_space<vmem>>)
    %get3A = arith.constant 512 : index
    %get3A_15 = tpu.vector_load %arg4[%get3A] {strides = array<i32>} : memref<672xf32, #tpu.memory_space<vmem>>, vector<16xf32>,
    %get3A_16 = arith.constant 528 : index
    %get3A_17 = tpu.vector_load %arg4[%get3A_16] {strides = array<i32>} : memref<672xf32, #tpu.memory_space<vmem>>, vector<16xf32>,
    %get3A_18 = arith.constant 544 : index
    %get3A_19 = tpu.vector_load %arg4[%get3A_18] {strides = array<i32>} : memref<672xf32, #tpu.memory_space<vmem>>, vector<16xf32>,
    %get3A_20 = arith.constant 560 : index
    %get3A_21 = tpu.vector_load %arg4[%get3A_20] {strides = array<i32>} : memref<672xf32, #tpu.memory_space<vmem>>, vector<16xf32>,
    %get3A_22 = arith.constant 576 : index
    %get3A_23 = tpu.vector_load %arg4[%get3A_22] {strides = array<i32>} : memref<672xf32, #tpu.memory_space<vmem>>, vector<16xf32>,
    %get3A_24 = arith.constant 592 : index
    %get3A_25 = tpu.vector_load %arg4[%get3A_24] {strides = array<i32>} : memref<672xf32, #tpu.memory_space<vmem>>, vector<16xf32>,
    %get3A_26 = arith.constant 608 : index
    %get3A_27 = tpu.vector_load %arg4[%get3A_26] {strides = array<i32>} : memref<672xf32, #tpu.memory_space<vmem>>, vector<16xf32>,
    %get3A_28 = arith.constant 624 : index
    %get3A_29 = tpu.vector_load %arg4[%get3A_28] {strides = array<i32>} : memref<672xf32, #tpu.memory_space<vmem>>, vector<16xf32>,
    %get3A_30 = arith.constant 640 : index
    %get3A_31 = tpu.vector_load %arg4[%get3A_30] {strides = array<i32>} : memref<672xf32, #tpu.memory_space<vmem>>, vector<16xf32>,
    %get3A_32 = arith.constant 656 : index
    %get3A_33 = tpu.vector_load %arg4[%get3A_32] {strides = array<i32>} : memref<672xf32, #tpu.memory_space<vmem>>, vector<16xf32>,
    %parallel_loop3A = arith.constant 0 : i32
    %parallel_loop3A_34 = arith.constant 32 : i32
    %parallel_loop3A_35 = arith.constant 1 : i32
    scf.for %parallel_loop3A_36 = %parallel_loop3A to %parallel_loop3A_34 step %parallel_loop3A_35  : i32 {
      %parallel_loop3A_37 = arith.constant 16 : i32
      %parallel_loop3A_38 = arith.muli %parallel_loop3A_36, %parallel_loop3A_37 : i32
      %parallel_loop3A_39 = arith.index_cast %parallel_loop3A_38 : i32 to index
      %parallel_loop3A_40 = tpu.vector_load %arg5[%parallel_loop3A_39] {strides = array<i32>} : memref<512xf32, #tpu.memory_space<vmem>>, vector<16xf32>,
      %parallel_loop3A_41 = vector.bitcast %parallel_loop3A_40 : vector<16xf32> to vector<16xi32>
      %parallel_loop3A_42 = arith.constant 5 : i32
      %parallel_loop3A_43 = vector.broadcast %parallel_loop3A_42 : i32 to vector<16xi32>
      %parallel_loop3A_44 = arith.shrsi %parallel_loop3A_41, %parallel_loop3A_43 : vector<16xi32>
      %parallel_loop3A_45 = arith.constant 16 : i32
      %parallel_loop3A_46 = vector.broadcast %parallel_loop3A_45 : i32 to vector<16xi32>
      %parallel_loop3A_47 = arith.muli %parallel_loop3A_44, %parallel_loop3A_46 : vector<16xi32>
      %parallel_loop3A_48 = arith.constant 31 : i32
      %parallel_loop3A_49 = vector.broadcast %parallel_loop3A_48 : i32 to vector<16xi32>
      %parallel_loop3A_50 = arith.andi %parallel_loop3A_41, %parallel_loop3A_49 : vector<16xi32>
      %parallel_loop3A_51 = arith.constant 16 : i32
      %parallel_loop3A_52 = vector.broadcast %parallel_loop3A_51 : i32 to vector<16xi32>
      %parallel_loop3A_53 = arith.muli %parallel_loop3A_50, %parallel_loop3A_52 : vector<16xi32>
      %parallel_loop3A_54 = arith.constant 0.000000e+00 : f32
      %parallel_loop3A_55 = vector.broadcast %parallel_loop3A_54 : f32 to vector<16xf32>
      %parallel_loop3A_56 = arith.constant 0 : i32
      %parallel_loop3A_57 = vector.broadcast %parallel_loop3A_56 : i32 to vector<16xi32>
      %parallel_loop3A_58 = arith.addi %parallel_loop3A_47, %parallel_loop3A_57 : vector<16xi32>
      %parallel_loop3A_59 = tpu.vector_load_idx %arg4[%parallel_loop3A_58] : memref<672xf32, #tpu.memory_space<vmem>>[vector<16xi32>], vector<16xf32>,
      %parallel_loop3A_60 = arith.constant 0 : i32
      %parallel_loop3A_61 = vector.broadcast %parallel_loop3A_60 : i32 to vector<16xi32>
      %parallel_loop3A_62 = arith.addi %parallel_loop3A_53, %parallel_loop3A_61 : vector<16xi32>
      %parallel_loop3A_63 = tpu.vector_load_idx %arg4[%parallel_loop3A_62] : memref<672xf32, #tpu.memory_space<vmem>>[vector<16xi32>], vector<16xf32>,
      %parallel_loop3A_64 = arith.subf %parallel_loop3A_59, %parallel_loop3A_63 : vector<16xf32>
      %parallel_loop3A_65 = arith.mulf %get3A_15, %parallel_loop3A_64 : vector<16xf32>
      %parallel_loop3A_66 = arith.mulf %parallel_loop3A_65, %parallel_loop3A_64 : vector<16xf32>
      %parallel_loop3A_67 = arith.addf %parallel_loop3A_55, %parallel_loop3A_66 : vector<16xf32>
      %parallel_loop3A_68 = arith.constant 1 : i32
      %parallel_loop3A_69 = vector.broadcast %parallel_loop3A_68 : i32 to vector<16xi32>
      %parallel_loop3A_70 = arith.addi %parallel_loop3A_47, %parallel_loop3A_69 : vector<16xi32>
      %parallel_loop3A_71 = tpu.vector_load_idx %arg4[%parallel_loop3A_70] : memref<672xf32, #tpu.memory_space<vmem>>[vector<16xi32>], vector<16xf32>,
      %parallel_loop3A_72 = arith.constant 1 : i32
      %parallel_loop3A_73 = vector.broadcast %parallel_loop3A_72 : i32 to vector<16xi32>
      %parallel_loop3A_74 = arith.addi %parallel_loop3A_53, %parallel_loop3A_73 : vector<16xi32>
      %parallel_loop3A_75 = tpu.vector_load_idx %arg4[%parallel_loop3A_74] : memref<672xf32, #tpu.memory_space<vmem>>[vector<16xi32>], vector<16xf32>,
      %parallel_loop3A_76 = arith.subf %parallel_loop3A_71, %parallel_loop3A_75 : vector<16xf32>
      %parallel_loop3A_77 = arith.mulf %get3A_17, %parallel_loop3A_76 : vector<16xf32>
      %parallel_loop3A_78 = arith.mulf %parallel_loop3A_77, %parallel_loop3A_76 : vector<16xf32>
      %parallel_loop3A_79 = arith.addf %parallel_loop3A_67, %parallel_loop3A_78 : vector<16xf32>
      %parallel_loop3A_80 = arith.constant 2 : i32
      %parallel_loop3A_81 = vector.broadcast %parallel_loop3A_80 : i32 to vector<16xi32>
      %parallel_loop3A_82 = arith.addi %parallel_loop3A_47, %parallel_loop3A_81 : vector<16xi32>
      %parallel_loop3A_83 = tpu.vector_load_idx %arg4[%parallel_loop3A_82] : memref<672xf32, #tpu.memory_space<vmem>>[vector<16xi32>], vector<16xf32>,
      %parallel_loop3A_84 = arith.constant 2 : i32
      %parallel_loop3A_85 = vector.broadcast %parallel_loop3A_84 : i32 to vector<16xi32>
      %parallel_loop3A_86 = arith.addi %parallel_loop3A_53, %parallel_loop3A_85 : vector<16xi32>
      %parallel_loop3A_87 = tpu.vector_load_idx %arg4[%parallel_loop3A_86] : memref<672xf32, #tpu.memory_space<vmem>>[vector<16xi32>], vector<16xf32>,
      %parallel_loop3A_88 = arith.subf %parallel_loop3A_83, %parallel_loop3A_87 : vector<16xf32>
      %parallel_loop3A_89 = arith.mulf %get3A_19, %parallel_loop3A_88 : vector<16xf32>
      %parallel_loop3A_90 = arith.mulf %parallel_loop3A_89, %parallel_loop3A_88 : vector<16xf32>
      %parallel_loop3A_91 = arith.addf %parallel_loop3A_79, %parallel_loop3A_90 : vector<16xf32>
      %parallel_loop3A_92 = arith.constant 3 : i32
      %parallel_loop3A_93 = vector.broadcast %parallel_loop3A_92 : i32 to vector<16xi32>
      %parallel_loop3A_94 = arith.addi %parallel_loop3A_47, %parallel_loop3A_93 : vector<16xi32>
      %parallel_loop3A_95 = tpu.vector_load_idx %arg4[%parallel_loop3A_94] : memref<672xf32, #tpu.memory_space<vmem>>[vector<16xi32>], vector<16xf32>,
      %parallel_loop3A_96 = arith.constant 3 : i32
      %parallel_loop3A_97 = vector.broadcast %parallel_loop3A_96 : i32 to vector<16xi32>
      %parallel_loop3A_98 = arith.addi %parallel_loop3A_53, %parallel_loop3A_97 : vector<16xi32>
      %parallel_loop3A_99 = tpu.vector_load_idx %arg4[%parallel_loop3A_98] : memref<672xf32, #tpu.memory_space<vmem>>[vector<16xi32>], vector<16xf32>,
      %parallel_loop3A_100 = arith.subf %parallel_loop3A_95, %parallel_loop3A_99 : vector<16xf32>
      %parallel_loop3A_101 = arith.mulf %get3A_21, %parallel_loop3A_100 : vector<16xf32>
      %parallel_loop3A_102 = arith.mulf %parallel_loop3A_101, %parallel_loop3A_100 : vector<16xf32>
      %parallel_loop3A_103 = arith.addf %parallel_loop3A_91, %parallel_loop3A_102 : vector<16xf32>
      %parallel_loop3A_104 = arith.constant 4 : i32
      %parallel_loop3A_105 = vector.broadcast %parallel_loop3A_104 : i32 to vector<16xi32>
      %parallel_loop3A_106 = arith.addi %parallel_loop3A_47, %parallel_loop3A_105 : vector<16xi32>
      %parallel_loop3A_107 = tpu.vector_load_idx %arg4[%parallel_loop3A_106] : memref<672xf32, #tpu.memory_space<vmem>>[vector<16xi32>], vector<16xf32>,
      %parallel_loop3A_108 = arith.constant 4 : i32
      %parallel_loop3A_109 = vector.broadcast %parallel_loop3A_108 : i32 to vector<16xi32>
      %parallel_loop3A_110 = arith.addi %parallel_loop3A_53, %parallel_loop3A_109 : vector<16xi32>
      %parallel_loop3A_111 = tpu.vector_load_idx %arg4[%parallel_loop3A_110] : memref<672xf32, #tpu.memory_space<vmem>>[vector<16xi32>], vector<16xf32>,
      %parallel_loop3A_112 = arith.subf %parallel_loop3A_107, %parallel_loop3A_111 : vector<16xf32>
      %parallel_loop3A_113 = arith.mulf %get3A_23, %parallel_loop3A_112 : vector<16xf32>
      %parallel_loop3A_114 = arith.mulf %parallel_loop3A_113, %parallel_loop3A_112 : vector<16xf32>
      %parallel_loop3A_115 = arith.addf %parallel_loop3A_103, %parallel_loop3A_114 : vector<16xf32>
      %parallel_loop3A_116 = arith.constant 5 : i32
      %parallel_loop3A_117 = vector.broadcast %parallel_loop3A_116 : i32 to vector<16xi32>
      %parallel_loop3A_118 = arith.addi %parallel_loop3A_47, %parallel_loop3A_117 : vector<16xi32>
      %parallel_loop3A_119 = tpu.vector_load_idx %arg4[%parallel_loop3A_118] : memref<672xf32, #tpu.memory_space<vmem>>[vector<16xi32>], vector<16xf32>,
      %parallel_loop3A_120 = arith.constant 5 : i32
      %parallel_loop3A_121 = vector.broadcast %parallel_loop3A_120 : i32 to vector<16xi32>
      %parallel_loop3A_122 = arith.addi %parallel_loop3A_53, %parallel_loop3A_121 : vector<16xi32>
      %parallel_loop3A_123 = tpu.vector_load_idx %arg4[%parallel_loop3A_122] : memref<672xf32, #tpu.memory_space<vmem>>[vector<16xi32>], vector<16xf32>,
      %parallel_loop3A_124 = arith.subf %parallel_loop3A_119, %parallel_loop3A_123 : vector<16xf32>
      %parallel_loop3A_125 = arith.mulf %get3A_25, %parallel_loop3A_124 : vector<16xf32>
      %parallel_loop3A_126 = arith.mulf %parallel_loop3A_125, %parallel_loop3A_124 : vector<16xf32>
      %parallel_loop3A_127 = arith.addf %parallel_loop3A_115, %parallel_loop3A_126 : vector<16xf32>
      %parallel_loop3A_128 = arith.constant 6 : i32
      %parallel_loop3A_129 = vector.broadcast %parallel_loop3A_128 : i32 to vector<16xi32>
      %parallel_loop3A_130 = arith.addi %parallel_loop3A_47, %parallel_loop3A_129 : vector<16xi32>
      %parallel_loop3A_131 = tpu.vector_load_idx %arg4[%parallel_loop3A_130] : memref<672xf32, #tpu.memory_space<vmem>>[vector<16xi32>], vector<16xf32>,
      %parallel_loop3A_132 = arith.constant 6 : i32
      %parallel_loop3A_133 = vector.broadcast %parallel_loop3A_132 : i32 to vector<16xi32>
      %parallel_loop3A_134 = arith.addi %parallel_loop3A_53, %parallel_loop3A_133 : vector<16xi32>
      %parallel_loop3A_135 = tpu.vector_load_idx %arg4[%parallel_loop3A_134] : memref<672xf32, #tpu.memory_space<vmem>>[vector<16xi32>], vector<16xf32>,
      %parallel_loop3A_136 = arith.subf %parallel_loop3A_131, %parallel_loop3A_135 : vector<16xf32>
      %parallel_loop3A_137 = arith.mulf %get3A_27, %parallel_loop3A_136 : vector<16xf32>
      %parallel_loop3A_138 = arith.mulf %parallel_loop3A_137, %parallel_loop3A_136 : vector<16xf32>
      %parallel_loop3A_139 = arith.addf %parallel_loop3A_127, %parallel_loop3A_138 : vector<16xf32>
      %parallel_loop3A_140 = arith.constant 7 : i32
      %parallel_loop3A_141 = vector.broadcast %parallel_loop3A_140 : i32 to vector<16xi32>
      %parallel_loop3A_142 = arith.addi %parallel_loop3A_47, %parallel_loop3A_141 : vector<16xi32>
      %parallel_loop3A_143 = tpu.vector_load_idx %arg4[%parallel_loop3A_142] : memref<672xf32, #tpu.memory_space<vmem>>[vector<16xi32>], vector<16xf32>,
      %parallel_loop3A_144 = arith.constant 7 : i32
      %parallel_loop3A_145 = vector.broadcast %parallel_loop3A_144 : i32 to vector<16xi32>
      %parallel_loop3A_146 = arith.addi %parallel_loop3A_53, %parallel_loop3A_145 : vector<16xi32>
      %parallel_loop3A_147 = tpu.vector_load_idx %arg4[%parallel_loop3A_146] : memref<672xf32, #tpu.memory_space<vmem>>[vector<16xi32>], vector<16xf32>,
      %parallel_loop3A_148 = arith.subf %parallel_loop3A_143, %parallel_loop3A_147 : vector<16xf32>
      %parallel_loop3A_149 = arith.mulf %get3A_29, %parallel_loop3A_148 : vector<16xf32>
      %parallel_loop3A_150 = arith.mulf %parallel_loop3A_149, %parallel_loop3A_148 : vector<16xf32>
      %parallel_loop3A_151 = arith.addf %parallel_loop3A_139, %parallel_loop3A_150 : vector<16xf32>
      %parallel_loop3A_152 = arith.constant 8 : i32
      %parallel_loop3A_153 = vector.broadcast %parallel_loop3A_152 : i32 to vector<16xi32>
      %parallel_loop3A_154 = arith.addi %parallel_loop3A_47, %parallel_loop3A_153 : vector<16xi32>
      %parallel_loop3A_155 = tpu.vector_load_idx %arg4[%parallel_loop3A_154] : memref<672xf32, #tpu.memory_space<vmem>>[vector<16xi32>], vector<16xf32>,
      %parallel_loop3A_156 = arith.constant 8 : i32
      %parallel_loop3A_157 = vector.broadcast %parallel_loop3A_156 : i32 to vector<16xi32>
      %parallel_loop3A_158 = arith.addi %parallel_loop3A_53, %parallel_loop3A_157 : vector<16xi32>
      %parallel_loop3A_159 = tpu.vector_load_idx %arg4[%parallel_loop3A_158] : memref<672xf32, #tpu.memory_space<vmem>>[vector<16xi32>], vector<16xf32>,
      %parallel_loop3A_160 = arith.subf %parallel_loop3A_155, %parallel_loop3A_159 : vector<16xf32>
      %parallel_loop3A_161 = arith.mulf %get3A_31, %parallel_loop3A_160 : vector<16xf32>
      %parallel_loop3A_162 = arith.mulf %parallel_loop3A_161, %parallel_loop3A_160 : vector<16xf32>
      %parallel_loop3A_163 = arith.addf %parallel_loop3A_151, %parallel_loop3A_162 : vector<16xf32>
      %parallel_loop3A_164 = arith.constant 9 : i32
      %parallel_loop3A_165 = vector.broadcast %parallel_loop3A_164 : i32 to vector<16xi32>
      %parallel_loop3A_166 = arith.addi %parallel_loop3A_47, %parallel_loop3A_165 : vector<16xi32>
      %parallel_loop3A_167 = tpu.vector_load_idx %arg4[%parallel_loop3A_166] : memref<672xf32, #tpu.memory_space<vmem>>[vector<16xi32>], vector<16xf32>,
      %parallel_loop3A_168 = arith.constant 9 : i32
      %parallel_loop3A_169 = vector.broadcast %parallel_loop3A_168 : i32 to vector<16xi32>
      %parallel_loop3A_170 = arith.addi %parallel_loop3A_53, %parallel_loop3A_169 : vector<16xi32>
      %parallel_loop3A_171 = tpu.vector_load_idx %arg4[%parallel_loop3A_170] : memref<672xf32, #tpu.memory_space<vmem>>[vector<16xi32>], vector<16xf32>,
      %parallel_loop3A_172 = arith.subf %parallel_loop3A_167, %parallel_loop3A_171 : vector<16xf32>
      %parallel_loop3A_173 = arith.mulf %get3A_33, %parallel_loop3A_172 : vector<16xf32>
      %parallel_loop3A_174 = arith.mulf %parallel_loop3A_173, %parallel_loop3A_172 : vector<16xf32>
      %parallel_loop3A_175 = arith.addf %parallel_loop3A_163, %parallel_loop3A_174 : vector<16xf32>
      %parallel_loop3A_176 = arith.constant 1.000000e-30 : f32
      %parallel_loop3A_177 = vector.broadcast %parallel_loop3A_176 : f32 to vector<16xf32>
      %parallel_loop3A_178 = arith.maximumf %parallel_loop3A_175, %parallel_loop3A_177 : vector<16xf32>
      %parallel_loop3A_179 = tpu.bitcast %parallel_loop3A_178 : vector<16xf32> -> vector<16xi32>
      %parallel_loop3A_180 = arith.constant 1 : i32
      %parallel_loop3A_181 = vector.broadcast %parallel_loop3A_180 : i32 to vector<16xi32>
      %parallel_loop3A_182 = arith.shrsi %parallel_loop3A_179, %parallel_loop3A_181 : vector<16xi32>
      %parallel_loop3A_183 = arith.constant 1597463007 : i32
      %parallel_loop3A_184 = vector.broadcast %parallel_loop3A_183 : i32 to vector<16xi32>
      %parallel_loop3A_185 = arith.subi %parallel_loop3A_184, %parallel_loop3A_182 : vector<16xi32>
      %parallel_loop3A_186 = tpu.bitcast %parallel_loop3A_185 : vector<16xi32> -> vector<16xf32>
      %parallel_loop3A_187 = arith.constant 5.000000e-01 : f32
      %parallel_loop3A_188 = vector.broadcast %parallel_loop3A_187 : f32 to vector<16xf32>
      %parallel_loop3A_189 = arith.mulf %parallel_loop3A_188, %parallel_loop3A_178 : vector<16xf32>
      %parallel_loop3A_190 = arith.mulf %parallel_loop3A_189, %parallel_loop3A_186 : vector<16xf32>
      %parallel_loop3A_191 = arith.mulf %parallel_loop3A_190, %parallel_loop3A_186 : vector<16xf32>
      %parallel_loop3A_192 = arith.constant 1.500000e+00 : f32
      %parallel_loop3A_193 = vector.broadcast %parallel_loop3A_192 : f32 to vector<16xf32>
      %parallel_loop3A_194 = arith.subf %parallel_loop3A_193, %parallel_loop3A_191 : vector<16xf32>
      %parallel_loop3A_195 = arith.mulf %parallel_loop3A_186, %parallel_loop3A_194 : vector<16xf32>
      %parallel_loop3A_196 = arith.constant 5.000000e-01 : f32
      %parallel_loop3A_197 = vector.broadcast %parallel_loop3A_196 : f32 to vector<16xf32>
      %parallel_loop3A_198 = arith.mulf %parallel_loop3A_197, %parallel_loop3A_178 : vector<16xf32>
      %parallel_loop3A_199 = arith.mulf %parallel_loop3A_198, %parallel_loop3A_195 : vector<16xf32>
      %parallel_loop3A_200 = arith.mulf %parallel_loop3A_199, %parallel_loop3A_195 : vector<16xf32>
      %parallel_loop3A_201 = arith.constant 1.500000e+00 : f32
      %parallel_loop3A_202 = vector.broadcast %parallel_loop3A_201 : f32 to vector<16xf32>
      %parallel_loop3A_203 = arith.subf %parallel_loop3A_202, %parallel_loop3A_200 : vector<16xf32>
      %parallel_loop3A_204 = arith.mulf %parallel_loop3A_195, %parallel_loop3A_203 : vector<16xf32>
      %parallel_loop3A_205 = arith.constant 5.000000e-01 : f32
      %parallel_loop3A_206 = vector.broadcast %parallel_loop3A_205 : f32 to vector<16xf32>
      %parallel_loop3A_207 = arith.mulf %parallel_loop3A_206, %parallel_loop3A_178 : vector<16xf32>
      %parallel_loop3A_208 = arith.mulf %parallel_loop3A_207, %parallel_loop3A_204 : vector<16xf32>
      %parallel_loop3A_209 = arith.mulf %parallel_loop3A_208, %parallel_loop3A_204 : vector<16xf32>
      %parallel_loop3A_210 = arith.constant 1.500000e+00 : f32
      %parallel_loop3A_211 = vector.broadcast %parallel_loop3A_210 : f32 to vector<16xf32>
      %parallel_loop3A_212 = arith.subf %parallel_loop3A_211, %parallel_loop3A_209 : vector<16xf32>
      %parallel_loop3A_213 = arith.mulf %parallel_loop3A_204, %parallel_loop3A_212 : vector<16xf32>
      %parallel_loop3A_214 = arith.mulf %parallel_loop3A_178, %parallel_loop3A_213 : vector<16xf32>
      %parallel_loop3A_215 = arith.constant -3.000000e+00 : f32
      %parallel_loop3A_216 = vector.broadcast %parallel_loop3A_215 : f32 to vector<16xf32>
      %parallel_loop3A_217 = arith.mulf %parallel_loop3A_216, %parallel_loop3A_214 : vector<16xf32>
      %parallel_loop3A_218 = math.exp %parallel_loop3A_217 : vector<16xf32>
      %parallel_loop3A_219 = arith.constant 5.000000e+00 : f32
      %parallel_loop3A_220 = vector.broadcast %parallel_loop3A_219 : f32 to vector<16xf32>
      %parallel_loop3A_221 = arith.mulf %parallel_loop3A_220, %parallel_loop3A_218 : vector<16xf32>
      %parallel_loop3A_222 = arith.constant 2.500000e+00 : f32
      %parallel_loop3A_223 = vector.broadcast %parallel_loop3A_222 : f32 to vector<16xf32>
      %parallel_loop3A_224 = arith.subf %parallel_loop3A_223, %parallel_loop3A_221 : vector<16xf32>
      %parallel_loop3A_225 = math.exp %parallel_loop3A_224 : vector<16xf32>
      %parallel_loop3A_226 = arith.constant 1.000000e+00 : f32
      %parallel_loop3A_227 = vector.broadcast %parallel_loop3A_226 : f32 to vector<16xf32>
      %parallel_loop3A_228 = arith.addf %parallel_loop3A_227, %parallel_loop3A_225 : vector<16xf32>
      %parallel_loop3A_229 = arith.constant 1.000000e+00 : f32
      %parallel_loop3A_230 = vector.broadcast %parallel_loop3A_229 : f32 to vector<16xf32>
      %parallel_loop3A_231 = arith.divf %parallel_loop3A_230, %parallel_loop3A_228 : vector<16xf32>
      %parallel_loop3A_232 = arith.index_cast %parallel_loop3A_38 : i32 to index
      %parallel_loop3A_233 = tpu.vector_load %arg6[%parallel_loop3A_232] {strides = array<i32>} : memref<512xf32, #tpu.memory_space<vmem>>, vector<16xf32>,
      tpu.vector_store %arg6[%parallel_loop3A_232], %parallel_loop3A_231 {strides = array<i32>} : memref<512xf32, #tpu.memory_space<vmem>>, vector<16xf32>,
    } {sc.loop_unroll_factor = 2 : i64, sc.parallel_access}
    "tpu.region"() ({
      %run_scoped3A = tpu.sem_alloc : memref<!tpu.dma_semaphore, #tpu.memory_space<semaphore_mem>>
      %dma_start3A_36 = tpu.memref_slice %arg3[%mul3A_2] : memref<16384xf32, #tpu.memory_space<hbm>> -> memref<512xf32, #tpu.memory_space<hbm>>
      %dma_start3A_37 = tpu.memref_slice %arg3[%mul3A_2] : memref<16384xf32, #tpu.memory_space<hbm>> -> memref<512xf32, #tpu.memory_space<hbm>>
      tpu.enqueue_dma source(%arg6 : memref<512xf32, #tpu.memory_space<vmem>>) target(%dma_start3A_37 : memref<512xf32, #tpu.memory_space<hbm>>) target_semaphore(%run_scoped3A : memref<!tpu.dma_semaphore, #tpu.memory_space<semaphore_mem>>)
      %dma_wait3A_38 = tpu.memref_slice %arg3[%mul3A_2] : memref<16384xf32, #tpu.memory_space<hbm>> -> memref<512xf32, #tpu.memory_space<hbm>>
      %dma_wait3A_39 = tpu.memref_slice %arg3[%mul3A_2] : memref<16384xf32, #tpu.memory_space<hbm>> -> memref<512xf32, #tpu.memory_space<hbm>>
      tpu.wait_dma2 semaphore(%run_scoped3A : memref<!tpu.dma_semaphore, #tpu.memory_space<semaphore_mem>>) src(%arg6 : memref<512xf32, #tpu.memory_space<vmem>>) dst(%dma_wait3A_39 : memref<512xf32, #tpu.memory_space<hbm>>)
      tpu.yield
    }) : () -> ()
    return
  }
}

</mosaic_0001>

<sc_bundles>
// kernel: kernel.3.cloned.1.call-start
scs
__scs_entry_jumppad:
0x0: {  	(pc) =	sbr.rel $0x88, $3  }
0x1: {  	(tag) =	ssettag $0x0;
	lr =	simm.s32 $0x1  }
0x2: {  	[smem:$0x3F9E] =	sst lr;
	_ =	strace $0xD0000000  }
0x3: {  	_ = 	snop  }
0x4: {  	_ = 	snop  }
0x5: {  	_ = 	snop  }
0x6: {  	_ = 	snop  }
0x7: {  	_ = 	snop  }
__scs_overlays_trampoline_lowered:
0x8: {  	[smem:$0x3FAD] =	sst s0  }
0x9: {  	[smem:$0x3FAE] =	sst s1  }
0xa: {  	[smem:$0x3FAF] =	sst s2  }
0xb: {  	[smem:$0x3FB0] =	sst s3  }
0xc: {  	[smem:$0x3FB1] =	sst s4  }
0xd: {  	[smem:$0x3FB2] =	sst s5  }
0xe: {  	[smem:$0x3FB3] =	sst s6  }
0xf: {  	[smem:$0x3FB4] =	sst s7  }
0x10: {  	[smem:$0x3FB5] =	sst s8  }
0x11: {  	[smem:$0x3FB6] =	sst s9;
	s0 =	simm.s32 @!p0 $0x0  }
0x12: {  	s1 =	sld [smem:$0x3F9C];
	s0 =	simm.s32 @p0 $0x1  }
0x13: {  	[smem:$0x3FB7] =	sst s0;
	s0 =	simm.s32 @!p1 $0x0  }
0x14: {  	s2 =	sld [smem:$0x3F9B];
	s0 =	simm.s32 @p1 $0x1  }
0x15: {  	[smem:$0x3FB8] =	sst s0;
	s0 =	simm.s32 @!p2 $0x0  }
0x16: {  	s3 =	sld [smem:$0x3FDB];
	s0 =	simm.s32 @p2 $0x1  }
0x17: {  	s4 =	simm.s32 $0x1BF5;
	[smem:$0x3FBA] =	sst s0  }
0x18: {  	s0 =	sld [smem:$0x3F9D];
	_ =	swait.ge [sflag:s4], $0x0  }
0x19: {  	s7 =	sld [smem:$0x3F9E]  }
0x1a: {  	s8 =	sadd.s32 $0xFFFFE003, lr  }
0x1b: {  	s9 =	sadd.s32 $0xFFFFFEF7, lr;
	s5 =	simm.s32 $0xFFFFFFFF;
	p2 =	slt.u32 s8, $0xFFFFF086  }
0x1c: {  	p1 =	slt.u32 s9, $0xF7A;
	s5 =	simm.s32 @!p2 $0x0  }
0x1d: {  	s5 =	simm.s32 @p1 $0x1;
	p0 =	seq.s32 s7, s2  }
0x1e: {  	s7 =	smul.u32 @!p0 $0xF7A, s2;
	p2 =	seq.s32 @!p0 s5, $0x0  }
0x1f: {  	s9 =	smul.u32 $0xF7A, s1;
	s8 =	simm.s32 @!p0 $0x1BF5;
	p2 =	por !p2, p0  }
0x20: {  	[sflag:s8] =	ssyncset.s32 @!p0 $0xFFFFF086;
	s6 =	sadd.s32 @!p0 s3, s7;
	s7 =	simm.s32 @!p0 $0x108  }
0x21: {  	s3 =	sadd.s32 s3, s9;
	s6 =	sadd.s32 @!p0 $0x88, s6;
	s7 =	simm.s32 @p2 $0x1082  }
0x22: {  	[simem:s7], [sflag:s8] =	dma.local @!p0 [hbm:s6], $0xF7A  }
0x23: {  	s9 =	sor.u32 $0xD0000000, s2;
	s6 =	simm.s32 $0x108;
	_ =	swait.ge @!p0 [sflag:s8], $0x0  }
0x24: {  	s3 =	sadd.s32 $0x88, s3;
	s6 =	simm.s32 @!p1 $0x1082;
	[sflag:s4] =	ssyncset.s32 $0xFFFFF086  }
0x25: {  	[simem:s6], [sflag:s4] =	dma.local [hbm:s3], $0xF7A  }
0x26: {  	[smem:$0x3F9E] =	sst s1;
	(tag) =	ssettag s2;
	_ =	strace s9  }
0x27: {  	s1 =	sld [smem:$0x3FAE]  }
0x28: {  	s2 =	sld [smem:$0x3FAF]  }
0x29: {  	s4 =	sld [smem:$0x3FB1]  }
0x2a: {  	p0 =	seq.s32 s5, $0x0;
	s5 =	sld [smem:$0x3FB2]  }
0x2b: {  	s6 =	sld [smem:$0x3FB3]  }
0x2c: {  	s7 =	sld [smem:$0x3FB4]  }
0x2d: {  	s3 =	simm.s32 $0x108;
	s8 =	sld [smem:$0x3FB5]  }
0x2e: {  	s3 =	simm.s32 @!p0 $0x1082;
	s9 =	sld [smem:$0x3FB6]  }
0x2f: {  	lr =	sadd.s32 s0, s3;
	s0 =	sld [smem:$0x3FAD]  }
0x30: {  	s3 =	sld [smem:$0x3FB0]  }
0x31: {  	[smem:$0x3FB9] =	sst s10  }
0x32: {  	s10 =	sld [smem:$0x3FB7];
	_ =	sdelay $0x3  }
0x33: {  	p0 =	seq.s32 s10, $0x1;
	s10 =	sld [smem:$0x3FB9];
	_ =	sdelay $0x3  }
0x34: {  	[smem:$0x3FB9] =	sst s10  }
0x35: {  	s10 =	sld [smem:$0x3FB8];
	_ =	sdelay $0x3  }
0x36: {  	p1 =	seq.s32 s10, $0x1;
	s10 =	sld [smem:$0x3FB9];
	_ =	sdelay $0x3  }
0x37: {  	[smem:$0x3FB9] =	sst s10  }
0x38: {  	s10 =	sld [smem:$0x3FBA]  }
0x39: {  	_ = 	snop;
	(pc) =	sbr.ind lr, $3  }
0x3a: {  	_ = 	snop  }
0x3b: {  	_ = 	snop  }
0x3c: {  	p2 =	seq.s32 s10, $0x1;
	s10 =	sld [smem:$0x3FB9]  }
0x3d: {  	_ =	shalt  }
0x3e: {  	_ =	shalt  }
0x3f: {  	_ =	shalt  }
0x40: {  	_ =	shalt  }
0x41: {  	_ =	shalt  }
0x42: {  	_ =	shalt  }
0x43: {  	_ =	shalt  }
0x44: {  	_ =	shalt  }
0x45: {  	_ =	shalt  }
0x46: {  	_ =	shalt  }
0x47: {  	_ =	shalt  }
0x48: {  	_ =	shalt  }
0x49: {  	_ =	shalt  }
0x4a: {  	_ =	shalt  }
0x4b: {  	_ =	shalt  }
0x4c: {  	_ =	shalt  }
0x4d: {  	_ =	shalt  }
0x4e: {  	_ =	shalt  }
0x4f: {  	_ =	shalt  }
0x50: {  	_ =	shalt  }
0x51: {  	_ =	shalt  }
0x52: {  	_ =	shalt  }
0x53: {  	_ =	shalt  }
0x54: {  	_ =	shalt  }
0x55: {  	_ =	shalt  }
0x56: {  	_ =	shalt  }
0x57: {  	_ =	shalt  }
0x58: {  	_ =	shalt  }
0x59: {  	_ =	shalt  }
0x5a: {  	_ =	shalt  }
0x5b: {  	_ =	shalt  }
0x5c: {  	_ =	shalt  }
0x5d: {  	_ =	shalt  }
0x5e: {  	_ =	shalt  }
0x5f: {  	_ =	shalt  }
0x60: {  	_ =	shalt  }
0x61: {  	_ =	shalt  }
0x62: {  	_ =	shalt  }
0x63: {  	_ =	shalt  }
0x64: {  	_ =	shalt  }
0x65: {  	_ =	shalt  }
0x66: {  	_ =	shalt  }
0x67: {  	_ =	shalt  }
0x68: {  	_ =	shalt  }
0x69: {  	_ =	shalt  }
0x6a: {  	_ =	shalt  }
0x6b: {  	_ =	shalt  }
0x6c: {  	_ =	shalt  }
0x6d: {  	_ =	shalt  }
0x6e: {  	_ =	shalt  }
0x6f: {  	_ =	shalt  }
0x70: {  	_ =	shalt  }
0x71: {  	_ =	shalt  }
0x72: {  	_ =	shalt  }
0x73: {  	_ =	shalt  }
0x74: {  	_ =	shalt  }
0x75: {  	_ =	shalt  }
0x76: {  	_ =	shalt  }
0x77: {  	_ =	shalt  }
0x78: {  	_ =	shalt  }
0x79: {  	_ =	shalt  }
0x7a: {  	_ =	shalt  }
0x7b: {  	_ =	shalt  }
0x7c: {  	_ =	shalt  }
0x7d: {  	_ =	shalt  }
0x7e: {  	_ =	shalt  }
0x7f: {  	_ =	shalt  }
0x80: {  	_ =	shalt  }
0x81: {  	_ =	shalt  }
0x82: {  	_ =	shalt  }
0x83: {  	_ =	shalt  }
0x84: {  	_ =	shalt  }
0x85: {  	_ =	shalt  }
0x86: {  	_ =	shalt  }
0x87: {  	_ =	shalt  }
.Lfunc_end0:
.L_simem_size_0:
called_computation_lowered:
.L_overlay_start_0:
0x88: {  	s2 =	sld [smem:$0x3FD9]  }
0x89: {  	s3 =	sld [smem:$0x3FFE];
	_ =	sdelay $0x1  }
0x8a: {  	s1 =	srdreg.scid  }
0x8b: {  	s0 =	sand.u32 $0x1, s1  }
0x8c: {  	s17 =	sshll.u32 s0, $0xA;
	s2 =	sadd.s32 s3, s2  }
0x8d: {  	s2 =	sadd.s32 s2, s17  }
0x8e: {  	[smem:$0x3FC5] =	sst s2  }
0x8f: {  	_ = 	snop  }
0x90: {  	s2 =	sld [smem:$0x3FD0];
	(tm) =	ssettm $0x1  }
0x91: {  	s18 =	sld [smem:$0x3FFB];
	_ =	sdelay $0x3  }
0x92: {  	_ =	strace s18  }
0x93: {  	s3 =	sld [smem:$0x3FFC];
	_ =	sdelay $0x3  }
0x94: {  	_ =	strace s3  }
0x95: {  	s3 =	sld [smem:$0x3FFD];
	_ =	sdelay $0x3  }
0x96: {  	_ =	strace s3  }
0x97: {  	_ =	strace $0x8FFFFFFF  }
0x98: {  	s19 =	sld [smem:$0x3FDB];
	_ =	sdelay $0x1  }
0x99: {  	s4 =	simm.s32 $_scs_section_size  }
0x9a: {  	s5 =	simm.s32 $_size__tile_overlayer_lowered;
	s6 =	simm.s32 $_tile_overlayer_lowered  }
0x9b: {  	s22 =	simm.s32 $0x1BFF;
	s21 =	sshll.u32 s6, $0x1;
	s3 =	sadd.s32 s4, s19  }
0x9c: {  	s7 =	simm.s32 $0x0;
	s20 =	sshll.u32 s5, $0x1;
	s5 =	sadd.s32 s21, s3  }
0x9d: {  	[timem:s7], [sflag:s22] =	dma.local [hbm:s5], s20  }
0x9e: {  	_ =	swait.ge [sflag:s22], s20  }
0x9f: {  	s4 =	ssub.s32 $0x0, s20;
	[sflag:s22] =	ssyncset.done $0x0  }
0xa0: {  	[sflag:s22] =	ssyncadd.s32 s4;
	_ =	sdelay $0x1  }
0xa1: {  	s23 =	simm.s32 $0x1B8B  }
0xa2: {  	_ =	swait.ge [sflag:s23], $0x1  }
0xa3: {  	[sflag:s23] =	ssyncset.done $0x0  }
0xa4: {  	s25 =	simm.s32 $0x1B8E;
	s24 =	sld [smem:$0x3FFE];
	[sflag:s23] =	ssyncadd.s32 $0xFFFFFFFF  }
0xa5: {  	s26 =	simm.s32 $execute0_lowered;
	[smem:$0x3FD2] =	sst s25  }
0xa6: {  	s5 =	sshll.u32 s26, $0x1;
	_ =	strace $0x80000046;
	[dreg:$0x1] =	wrdreg $0xFFFFFFFF  }
0xa7: {  	s28 =	simm.s32 $_size_execute0_lowered;
	s3 =	sadd.s32 s3, s5;
	[dreg:$0x0] =	wrdreg $0x0  }
0xa8: {  	s5 =	sshll.u32 s28, $0x1;
	[dreg:$0x2] =	wrdreg s3  }
0xa9: {  	[dreg:$0x3] =	wrdreg s5  }
0xaa: {  	[dreg:$0x4] =	wrdreg $0xC0  }
0xab: {  	_ =	task [dreg:s7], $0x5FFFF  }
0xac: {  	[dreg:$0x1] =	wrdreg $0xFFFFFFFF  }
0xad: {  	[dreg:$0x0] =	wrdreg $0x60  }
0xae: {  	[dreg:$0x2] =	wrdreg s24  }
0xaf: {  	[dreg:$0x3] =	wrdreg s2  }
0xb0: {  	[dreg:$0x4] =	wrdreg $0x9  }
0xb1: {  	_ =	task.clear_ibuf [dreg:s7], $0x5FFFF;
	_ =	strace $0x90000046  }
0xb2: {  	s29 =	simm.s32 $0x9;
	_ =	strace $0x80000048  }
0xb3: {  	_ =	swait.ge [sflag:s29], $0x1  }
0xb4: {  	[sflag:s29] =	ssyncadd.s32 $0xFFFFFFFF  }
0xb5: {  	_ =	strace $0x90000048  }
0xb6: {  	_ =	sfence  }
0xb7: {  	s30 =	sld [smem:$0x0];
	_ =	sdelay $0x2  }
0xb8: {  	s31 =	sshll.u32 s1, $0xD;
	s1 =	sshrl.u32 s1, $0x2  }
0xb9: {  	s3 =	sand.u32 $0x4000, s31;
	s1 =	sadd.s32 s1, s30  }
0xba: {  	s0 =	sor.u32 s3, s0;
	s1 =	sshll.u32 s1, $0x11  }
0xbb: {  	s0 =	sor.u32 s1, s0  }
0xbc: {  	s0 =	sadd.s32 $0x8F2B, s0  }
0xbd: {  	[sflag:s0] =	ssyncadd.remote.s32 $0x1  }
0xbe: {  	_ =	sfence.sel $0xFFFF  }
0xbf: {  	[dreg:$0x0] =	wrdreg $0xFFFFFFFF;
	(pc) =	sbr.abs _section_cstart, $3  }
0xc0: {  	[dreg:$0x1] =	wrdreg $0xFFFFFFFF  }
0xc1: {  	_ =	task.clear_ibuf [dreg:s7], $0x2FFFF;
	_ =	strace $0x9FFFFFFF  }
0xc2: {  	(tm) =	ssettm $0x7FFFFFFF  }
0xc3: {  	_ =	shalt  }
tec
execute0_lowered:
.L_overlay_start_1:
0x0: {  	(tag) =	ssettag $0x1  }
0x1: {  	s3 =	rddreg [dreg:$0x0]  }
0x2: {  	s5 =	rddreg [dreg:$0x1];
	s2 =	srdreg.scid  }
0x3: {  	s0 =	rddreg [dreg:$0x2];
	s1 =	stileid.u32;
	s8 =	simm.s32 $0x1  }
0x4: {  	s9 =	simm.s32 $0x2;
	s10 =	simm.s32 $0x500;
	s11 =	simm.s32 $0x3  }
0x5: {  	s12 =	simm.s32 $0x0;
	s4 =	sand.u32 $0x1, s2;
	s2 =	simm.s32 $0x0  }
0x6: {  	s6 =	sshll.u32 s1, $0xA;
	s3 =	sadd.s32 $0x800, s3;
	s7 =	sshll.u32 s4, $0x9  }
0x7: {  	[smem:$0x7FF] =	sst s2;
	s4 =	ssub.s32 $0x2, s4;
	s6 =	sor.u32 s7, s6  }
0x8: {  	s30 =	sshrl.u32 s4, $0x1;
	_ =	strace $0x80000047;
	s6 =	sshrl.u32 s6, $0x3  }
0x9: {  	s7 =	ssub.s32 s4, s30;
	s31 =	sadd.s32 s3, s6;
	s5 =	sadd.s32 s5, s6  }
0xa: {  	s6 =	smax.u32 s7, $0x1;
	s7 =	simm.s32 $0x300;
	s4 =	sadd.s32 $0x54, s31  }
.LBB2_1:
0xb: {  	[tilespmem:s2], [sflag:$0x1] =	stream.linear.gather [hbm4b:s3+s2], $0x2A0, $0x38;
	[tilespmem:$0x700] =	vst v63  }
0xc: {  	_ = 	snop  }
0xd: {  	[tilespmem:s7], [sflag:$0x2] =	stream.linear.gather [hbm4b:s4+s2], $0x200, $0x38;
	[tilespmem:$0x700] =	vst v63  }
0xe: {  	_ =	swait.ge [sflag:s8], $0x2A0  }
0xf: {  	[sflag:s8] =	ssyncset.done $0x0  }
0x10: {  	[sflag:s8] =	ssyncadd.s32 $0xFFFFFD60  }
0x11: {  	_ =	swait.ge [sflag:s9], $0x200  }
0x12: {  	[sflag:s9] =	ssyncset.done $0x0  }
0x13: {  	s13 =	simm.s32 $0x310;
	[sflag:s9] =	ssyncadd.s32 $0xFFFFFE00  }
0x14: {  	v5 =	vld [tilespmem:s13+$0x0];
	_ =	sdelay $0x2  }
0x15: {  	v0 =	vld [tilespmem:$0x200]  }
0x16: {  	v1 =	vld [tilespmem:$0x210]  }
0x17: {  	v2 =	vld [tilespmem:$0x220];
	v6 =	vshra.s32 v5, $0x1  }
0x18: {  	v3 =	vld [tilespmem:$0x230];
	v7 =	vshll.u32 v5, $0x4;
	v8 =	vand.u32 $0xFFFFFFF0, v6  }
0x19: {  	v4 =	vld [tilespmem:$0x240];
	v9 =	vand.u32 $0x1F0, v7  }
0x1a: {  	v12 =	vld [tilespmem:s13+$0xFFFFFFF0];
	v10 =	vor.u32 $0x3, v8  }
0x1b: {  	v5 =	vld [tilespmem:$0x250];
	v11 =	vor.u32 $0x1, v8  }
0x1c: {  	v6 =	vld [tilespmem:$0x260];
	v13 =	vor.u32 $0x1, v9  }
0x1d: {  	v15 =	vor.u32 $0x2, v8;
	v14 =	vld.idx.msk [tilespmem:v8+s2+$0x0], $0xffff  }
0x1e: {  	v17 =	vor.u32 $0x2, v9;
	v16 =	vld.idx.msk [tilespmem:v9+s2+$0x0], $0xffff  }
0x1f: {  	v18 =	vor.u32 $0x3, v9;
	v10 =	vld.idx.msk [tilespmem:v10+s2+$0x0], $0xffff  }
0x20: {  	v19 =	vor.u32 $0x4, v8;
	v11 =	vld.idx.msk [tilespmem:v11+s2+$0x0], $0xffff  }
0x21: {  	v20 =	vor.u32 $0x4, v9;
	v13 =	vld.idx.msk [tilespmem:v13+s2+$0x0], $0xffff  }
0x22: {  	v21 =	vor.u32 $0x5, v8;
	v15 =	vld.idx.msk [tilespmem:v15+s2+$0x0], $0xffff  }
0x23: {  	v17 =	vld.idx.msk [tilespmem:v17+s2+$0x0], $0xffff  }
0x24: {  	v22 =	vor.u32 $0x5, v9;
	v18 =	vld.idx.msk [tilespmem:v18+s2+$0x0], $0xffff;
	v14 =	vsub.f32 v14, v16  }
0x25: {  	v16 =	vld.idx.msk [tilespmem:v19+s2+$0x0], $0xffff;
	v19 =	vor.u32 $0x6, v9  }
0x26: {  	v23 =	vor.u32 $0x6, v8;
	v20 =	vld.idx.msk [tilespmem:v20+s2+$0x0], $0xffff;
	v11 =	vsub.f32 v11, v13;
	v25 =	vmul.f32 v14, v0  }
0x27: {  	v24 =	vor.u32 $0x7, v8;
	v13 =	vld.idx.msk [tilespmem:v21+s2+$0x0], $0xffff;
	v21 =	vor.u32 $0x7, v9  }
0x28: {  	v7 =	vld [tilespmem:$0x270];
	v15 =	vsub.f32 v15, v17;
	v14 =	vmul.f32 v25, v14;
	v25 =	vmul.f32 v11, v1  }
0x29: {  	v26 =	vor.u32 $0x8, v8;
	v22 =	vld.idx.msk [tilespmem:v22+s2+$0x0], $0xffff;
	v17 =	vor.u32 $0x8, v9;
	v10 =	vsub.f32 v10, v18  }
0x2a: {  	v18 =	vld.idx.msk [tilespmem:v19+s2+$0x0], $0xffff;
	v19 =	vmul.f32 v15, v2;
	v14 =	vadd.f32 $0.0e+00, v14;
	v11 =	vmul.f32 v25, v11  }
0x2b: {  	v8 =	vor.u32 $0x9, v8;
	v23 =	vld.idx.msk [tilespmem:v23+s2+$0x0], $0xffff;
	v9 =	vor.u32 $0x9, v9  }
0x2c: {  	v24 =	vld.idx.msk [tilespmem:v24+s2+$0x0], $0xffff;
	v16 =	vsub.f32 v16, v20;
	v11 =	vadd.f32 v11, v14;
	v14 =	vmul.f32 v19, v15  }
0x2d: {  	v20 =	vld.idx.msk [tilespmem:v21+s2+$0x0], $0xffff;
	v15 =	vmul.f32 v10, v3  }
0x2e: {  	v13 =	vsub.f32 v13, v22;
	v17 =	vld.idx.msk [tilespmem:v17+s2+$0x0], $0xffff;
	v21 =	vmul.f32 v16, v4;
	v11 =	vadd.f32 v14, v11  }
0x2f: {  	v19 =	vld.idx.msk [tilespmem:v26+s2+$0x0], $0xffff;
	v10 =	vmul.f32 v15, v10;
	v14 =	vshra.s32 v12, $0x1;
	v12 =	vshll.u32 v12, $0x4  }
0x30: {  	v15 =	vld.idx.msk [tilespmem:v8+s2+$0x0], $0xffff;
	v8 =	vmul.f32 v13, v5;
	v18 =	vsub.f32 v23, v18;
	v14 =	vand.u32 $0xFFFFFFF0, v14  }
0x31: {  	v22 =	vld.idx.msk [tilespmem:v9+s2+$0x0], $0xffff;
	v12 =	vand.u32 $0x1F0, v12;
	v10 =	vadd.f32 v10, v11;
	v11 =	vmul.f32 v21, v16  }
0x32: {  	v9 =	vld [tilespmem:$0x280];
	v16 =	vsub.f32 v24, v20;
	v20 =	vmul.f32 v18, v6;
	v21 =	vor.u32 $0x1, v12  }
0x33: {  	v10 =	vadd.f32 v11, v10;
	v11 =	vmul.f32 v8, v13;
	v13 =	vor.u32 $0x1, v14  }
0x34: {  	v25 =	vor.u32 $0x4, v12;
	v26 =	vor.u32 $0x6, v14;
	v17 =	vsub.f32 v19, v17;
	v8 =	vld [tilespmem:$0x290]  }
0x35: {  	v23 =	vmul.f32 v16, v7;
	v10 =	vadd.f32 v11, v10;
	v11 =	vmul.f32 v20, v18;
	v20 =	vld.idx.msk [tilespmem:v14+s2+$0x0], $0xffff  }
0x36: {  	v19 =	vor.u32 $0x2, v12;
	v15 =	vsub.f32 v15, v22;
	v18 =	vor.u32 $0x2, v14;
	v24 =	vld.idx.msk [tilespmem:v12+s2+$0x0], $0xffff  }
0x37: {  	v21 =	vld.idx.msk [tilespmem:v21+s2+$0x0], $0xffff;
	v10 =	vadd.f32 v11, v10;
	v11 =	vmul.f32 v23, v16;
	v16 =	vmul.f32 v17, v9  }
0x38: {  	v22 =	vor.u32 $0x3, v14;
	v23 =	vor.u32 $0x3, v12;
	v13 =	vld.idx.msk [tilespmem:v13+s2+$0x0], $0xffff  }
0x39: {  	v25 =	vld.idx.msk [tilespmem:v25+s2+$0x0], $0xffff;
	v10 =	vadd.f32 v11, v10;
	v11 =	vmul.f32 v16, v17;
	v16 =	vmul.f32 v15, v8  }
0x3a: {  	v27 =	vor.u32 $0x7, v14;
	v26 =	vld.idx.msk [tilespmem:v26+s2+$0x0], $0xffff;
	v17 =	vor.u32 $0x4, v14  }
0x3b: {  	v18 =	vld.idx.msk [tilespmem:v18+s2+$0x0], $0xffff;
	v10 =	vadd.f32 v11, v10;
	v11 =	vmul.f32 v16, v15;
	v15 =	vor.u32 $0x5, v14  }
0x3c: {  	v30 =	vor.u32 $0x8, v14;
	v20 =	vsub.f32 v20, v24;
	v16 =	vld.idx.msk [tilespmem:v19+s2+$0x0], $0xffff;
	v19 =	vor.u32 $0x5, v12  }
0x3d: {  	v22 =	vld.idx.msk [tilespmem:v22+s2+$0x0], $0xffff;
	v14 =	vor.u32 $0x9, v14;
	v10 =	vadd.f32 v11, v10;
	v13 =	vsub.f32 v13, v21  }
0x3e: {  	v24 =	vor.u32 $0x7, v12;
	v23 =	vld.idx.msk [tilespmem:v23+s2+$0x0], $0xffff;
	v21 =	vmul.f32 v20, v0  }
0x3f: {  	v11 =	vor.u32 $0x6, v12;
	v17 =	vld.idx.msk [tilespmem:v17+s2+$0x0], $0xffff;
	v10 =	vmax.f32 v10, $1.000000000e-30;
	v31 =	vmul.f32 v13, v1  }
0x40: {  	v20 =	vmul.f32 v21, v20;
	v28 =	vshra.s32 v10, $0x1;
	v29 =	vmul.f32 $5.000000000e-01, v10;
	v15 =	vld.idx.msk [tilespmem:v15+s2+$0x0], $0xffff  }
0x41: {  	v21 =	vor.u32 $0x8, v12;
	v16 =	vsub.f32 v18, v16;
	v18 =	vld.idx.msk [tilespmem:v19+s2+$0x0], $0xffff;
	v28 =	vsub.s32 $0x5F3759DF, v28  }
0x42: {  	v12 =	vor.u32 $0x9, v12;
	v14 =	vld.idx.msk [tilespmem:v14+s2+$0x0], $0xffff;
	v13 =	vmul.f32 v31, v13;
	v19 =	vmul.f32 v28, v29  }
0x43: {  	v20 =	vadd.f32 $0.0e+00, v20;
	v22 =	vsub.f32 v22, v23;
	v23 =	vld.idx.msk [tilespmem:v27+s2+$0x0], $0xffff;
	v51 =	vmul.f32 v16, v2  }
0x44: {  	v11 =	vld.idx.msk [tilespmem:v11+s2+$0x0], $0xffff;
	v19 =	vmul.f32 v28, v19  }
0x45: {  	v13 =	vadd.f32 v13, v20;
	v20 =	vld.idx.msk [tilespmem:v24+s2+$0x0], $0xffff;
	v27 =	vmul.f32 v22, v3;
	v16 =	vmul.f32 v51, v16  }
0x46: {  	v24 =	vld.idx.msk [tilespmem:v30+s2+$0x0], $0xffff;
	v17 =	vsub.f32 v17, v25;
	v19 =	vsub.f32 $1.500000000e+00, v19  }
0x47: {  	v21 =	vld.idx.msk [tilespmem:v21+s2+$0x0], $0xffff;
	v15 =	vsub.f32 v15, v18;
	v18 =	vmul.f32 v27, v22;
	v13 =	vadd.f32 v16, v13  }
0x48: {  	s28 =	simm.s32 $0x330;
	v12 =	vld.idx.msk [tilespmem:v12+s2+$0x0], $0xffff;
	v16 =	vmul.f32 v28, v19;
	v19 =	vmul.f32 v17, v4  }
0x49: {  	v11 =	vsub.f32 v26, v11;
	v25 =	vmul.f32 v15, v5;
	v13 =	vadd.f32 v18, v13;
	v18 =	vld [tilespmem:s28+$0x0]  }
0x4a: {  	v20 =	vsub.f32 v23, v20;
	v22 =	vmul.f32 v16, v29;
	v17 =	vmul.f32 v19, v17  }
0x4b: {  	v15 =	vmul.f32 v25, v15;
	v19 =	vmul.f32 v11, v6  }
0x4c: {  	v22 =	vmul.f32 v22, v16;
	v13 =	vadd.f32 v17, v13;
	v17 =	vmul.f32 v20, v7  }
0x4d: {  	v21 =	vsub.f32 v24, v21;
	v12 =	vsub.f32 v14, v12;
	v11 =	vmul.f32 v19, v11  }
0x4e: {  	v19 =	vsub.f32 $1.500000000e+00, v22;
	v14 =	vmul.f32 v17, v20;
	v17 =	vshll.u32 v18, $0x4  }
0x4f: {  	v13 =	vadd.f32 v15, v13;
	v17 =	vand.u32 $0x1F0, v17  }
0x50: {  	v22 =	vmul.f32 v21, v9;
	v15 =	vmul.f32 v19, v16;
	v25 =	vor.u32 $0x2, v17  }
0x51: {  	v16 =	vshra.s32 v18, $0x1;
	v11 =	vadd.f32 v11, v13;
	v34 =	vor.u32 $0x5, v17  }
0x52: {  	v16 =	vand.u32 $0xFFFFFFF0, v16;
	v19 =	vmul.f32 v15, v29  }
0x53: {  	v13 =	vld [tilespmem:s28+$0xFFFFFFF0];
	v18 =	vmul.f32 v22, v21;
	v11 =	vadd.f32 v14, v11;
	v21 =	vor.u32 $0x1, v16  }
0x54: {  	v23 =	vor.u32 $0x2, v16;
	v19 =	vmul.f32 v19, v15;
	v24 =	vld.idx.msk [tilespmem:v17+s2+$0x0], $0xffff  }
0x55: {  	v20 =	vmul.f32 v12, v8;
	v11 =	vadd.f32 v18, v11;
	v18 =	vor.u32 $0x1, v17;
	v25 =	vld.idx.msk [tilespmem:v25+s2+$0x0], $0xffff  }
0x56: {  	v14 =	vor.u32 $0x3, v16;
	v34 =	vld.idx.msk [tilespmem:v34+s2+$0x0], $0xffff;
	v19 =	vsub.f32 $1.500000000e+00, v19  }
0x57: {  	v12 =	vmul.f32 v20, v12;
	v52 =	vor.u32 $0x4, v16;
	v22 =	vld.idx.msk [tilespmem:v16+s2+$0x0], $0xffff  }
0x58: {  	v37 =	vor.u32 $0x6, v17;
	v36 =	vor.u32 $0x6, v16;
	v21 =	vld.idx.msk [tilespmem:v21+s2+$0x0], $0xffff;
	v15 =	vmul.f32 v19, v15  }
0x59: {  	v32 =	vor.u32 $0x5, v16;
	v38 =	vor.u32 $0x7, v16;
	v56 =	vor.u32 $0x8, v16;
	v23 =	vld.idx.msk [tilespmem:v23+s2+$0x0], $0xffff  }
0x5a: {  	v20 =	vshra.s32 v13, $0x1;
	v19 =	vor.u32 $0x3, v17;
	v10 =	vmul.f32 v15, v10;
	v15 =	vld.idx.msk [tilespmem:v18+s2+$0x0], $0xffff  }
0x5b: {  	v13 =	vshll.u32 v13, $0x4;
	v20 =	vand.u32 $0xFFFFFFF0, v20;
	v14 =	vld.idx.msk [tilespmem:v14+s2+$0x0], $0xffff;
	v18 =	vor.u32 $0x4, v17  }
0x5c: {  	v13 =	vand.u32 $0x1F0, v13;
	v16 =	vor.u32 $0x9, v16;
	v28 =	vld.idx.msk [tilespmem:v52+s2+$0x0], $0xffff;
	v22 =	vsub.f32 v22, v24  }
0x5d: {  	v11 =	vadd.f32 v12, v11;
	v26 =	vor.u32 $0x1, v20;
	v36 =	vld.idx.msk [tilespmem:v36+s2+$0x0], $0xffff;
	v10 =	vmul.f32 $-3.000000000e+00, v10  }
0x5e: {  	v27 =	vor.u32 $0x1, v13;
	v53 =	vor.u32 $0x2, v20;
	v38 =	vld.idx.msk [tilespmem:v38+s2+$0x0], $0xffff;
	v39 =	vmul.f32 v22, v0  }
0x5f: {  	v23 =	vsub.f32 v23, v25;
	v19 =	vld.idx.msk [tilespmem:v19+s2+$0x0], $0xffff;
	v10 =	vmul.f32 $1.442695020e+00, v10;
	v15 =	vsub.f32 v21, v15  }
0x60: {  	v25 =	vor.u32 $0x8, v17;
	v18 =	vld.idx.msk [tilespmem:v18+s2+$0x0], $0xffff;
	v21 =	vor.u32 $0x7, v17;
	v22 =	vmul.f32 v39, v22  }
0x61: {  	v17 =	vor.u32 $0x9, v17;
	(erf) = vpow2.f32 v10;
	v10 =	vld.idx.msk [tilespmem:v32+s2+$0x0], $0xffff;
	v57 =	vmul.f32 v15, v1  }
0x62: {  	v54 =	vor.u32 $0x2, v13;
	v55 =	vor.u32 $0x3, v20;
	v33 =	vor.u32 $0x3, v13;
	v16 =	vld.idx.msk [tilespmem:v16+s2+$0x0], $0xffff  }
0x63: {  	v35 =	vor.u32 $0x4, v20;
	v32 =	vld.idx.msk [tilespmem:v56+s2+$0x0], $0xffff;
	v22 =	vadd.f32 $0.0e+00, v22;
	v15 =	vmul.f32 v57, v15  }
0x64: {  	v59 =	vor.u32 $0x5, v20;
	v58 =	vmul.f32 v23, v2;
	v14 =	vsub.f32 v14, v19;
	v19 =	vld.idx.msk [tilespmem:v37+s2+$0x0], $0xffff  }
0x65: {  	v60 =	vor.u32 $0x5, v13;
	v18 =	vsub.f32 v28, v18;
	v21 =	vld.idx.msk [tilespmem:v21+s2+$0x0], $0xffff;
	v15 =	vadd.f32 v15, v22  }
0x66: {  	v17 =	vld.idx.msk [tilespmem:v17+s2+$0x0], $0xffff;
	v22 =	vmul.f32 v58, v23;
	v23 =	vmul.f32 v14, v3;
	v10 =	vsub.f32 v10, v34  }
0x67: {  	v61 =	vor.u32 $0x6, v20;
	v42 =	vor.u32 $0x8, v20;
	v25 =	vld.idx.msk [tilespmem:v25+s2+$0x0], $0xffff;
	v62 =	vmul.f32 v18, v4  }
0x68: {  	v15 =	vadd.f32 v22, v15;
	v14 =	vmul.f32 v23, v14;
	v40 =	vmul.f32 v10, v5  }
0x69: {  	v12 =	vmax.f32 v11, $1.000000000e-30;
	v24 =	vor.u32 $0x4, v13;
	v11 =	vld.idx.msk [tilespmem:v20+s2+$0x0], $0xffff;
	v19 =	vsub.f32 v36, v19  }
0x6a: {  	v41 =	vpop (erf);
	v14 =	vadd.f32 v14, v15;
	v15 =	vmul.f32 v62, v18;
	v10 =	vmul.f32 v40, v10;
	v40 =	vld.idx.msk [tilespmem:v13+s2+$0x0], $0xffff  }
0x6b: {  	v21 =	vsub.f32 v38, v21;
	v16 =	vsub.f32 v16, v17;
	v17 =	vld.idx.msk [tilespmem:v26+s2+$0x0], $0xffff;
	v18 =	vmul.f32 $5.000000000e+00, v41  }
0x6c: {  	v25 =	vsub.f32 v32, v25;
	v63 =	vmul.f32 v19, v6;
	v26 =	vld.idx.msk [tilespmem:v27+s2+$0x0], $0xffff;
	v14 =	vadd.f32 v15, v14  }
0x6d: {  	v22 =	vor.u32 $0x6, v13;
	v15 =	vsub.f32 $2.500000000e+00, v18;
	v18 =	vmul.f32 v21, v7  }
0x6e: {  	v10 =	vadd.f32 v10, v14;
	v14 =	vmul.f32 v63, v19;
	v19 =	vshra.s32 v12, $0x1  }
0x6f: {  	v15 =	vmul.f32 $1.442695020e+00, v15;
	v19 =	vsub.s32 $0x5F3759DF, v19;
	v11 =	vsub.f32 v11, v40  }
0x70: {  	v31 =	vld.idx.msk [tilespmem:v55+s2+$0x0], $0xffff;
	v10 =	vadd.f32 v14, v10;
	v14 =	vmul.f32 v18, v21;
	v18 =	vmul.f32 v25, v9  }
0x71: {  	v27 =	vld.idx.msk [tilespmem:v54+s2+$0x0], $0xffff;
	v17 =	vsub.f32 v17, v26;
	v21 =	vmul.f32 $5.000000000e-01, v12;
	(erf) = vpow2.f32 v15  }
0x72: {  	v15 =	vld.idx.msk [tilespmem:v53+s2+$0x0], $0xffff;
	v10 =	vadd.f32 v14, v10;
	v14 =	vmul.f32 v18, v25;
	v18 =	vmul.f32 v16, v8  }
0x73: {  	v44 =	vld.idx.msk [tilespmem:v35+s2+$0x0], $0xffff;
	v23 =	vor.u32 $0x7, v20;
	v43 =	vmul.f32 v11, v0;
	v41 =	vmul.f32 v19, v21  }
0x74: {  	v48 =	vld.idx.msk [tilespmem:v61+s2+$0x0], $0xffff;
	v45 =	vmul.f32 v17, v1;
	v10 =	vadd.f32 v14, v10;
	v14 =	vmul.f32 v18, v16  }
0x75: {  	v20 =	vor.u32 $0x9, v20;
	v25 =	vor.u32 $0x7, v13;
	v18 =	vld.idx.msk [tilespmem:v33+s2+$0x0], $0xffff;
	v29 =	vmul.f32 v19, v41  }
0x76: {  	v26 =	vld.idx.msk [tilespmem:v59+s2+$0x0], $0xffff;
	v11 =	vmul.f32 v43, v11;
	v17 =	vmul.f32 v45, v17;
	v10 =	vadd.f32 v14, v10  }
0x77: {  	v16 =	vor.u32 $0x8, v13;
	v14 =	vld.idx.msk [tilespmem:v24+s2+$0x0], $0xffff;
	v24 =	vsub.f32 $1.500000000e+00, v29;
	v15 =	vsub.f32 v15, v27  }
0x78: {  	v13 =	vor.u32 $0x9, v13;
	v11 =	vadd.f32 $0.0e+00, v11;
	v27 =	vld.idx.msk [tilespmem:v60+s2+$0x0], $0xffff;
	v10 =	vmax.f32 v10, $1.000000000e-30  }
0x79: {  	v22 =	vld.idx.msk [tilespmem:v22+s2+$0x0], $0xffff;
	v49 =	vmul.f32 v15, v2;
	v46 =	vshra.s32 v10, $0x1;
	v47 =	vmul.f32 $5.000000000e-01, v10  }
0x7a: {  	v23 =	vld.idx.msk [tilespmem:v23+s2+$0x0], $0xffff;
	v19 =	vmul.f32 v19, v24;
	v18 =	vsub.f32 v31, v18;
	v28 =	vsub.s32 $0x5F3759DF, v46  }
0x7b: {  	v11 =	vadd.f32 v17, v11;
	v17 =	vld.idx.msk [tilespmem:v25+s2+$0x0], $0xffff;
	v24 =	vpop (erf);
	v15 =	vmul.f32 v49, v15;
	v50 =	vmul.f32 v28, v47  }
0x7c: {  	v20 =	vld.idx.msk [tilespmem:v20+s2+$0x0], $0xffff;
	v24 =	vadd.f32 $1.000000000e+00, v24;
	v25 =	vmul.f32 v18, v3;
	v14 =	vsub.f32 v44, v14  }
0x7d: {  	v13 =	vld.idx.msk [tilespmem:v13+s2+$0x0], $0xffff;
	v11 =	vadd.f32 v15, v11;
	v15 =	vsub.f32 v26, v27;
	v26 =	vmul.f32 v19, v21  }
0x7e: {  	v30 =	vld.idx.msk [tilespmem:v42+s2+$0x0], $0xffff;
	v51 =	vmul.f32 v28, v50;
	(erf) = vrcp.f32 v24  }
0x7f: {  	v22 =	vsub.f32 v48, v22;
	v16 =	vld.idx.msk [tilespmem:v16+s2+$0x0], $0xffff;
	v18 =	vmul.f32 v25, v18;
	v24 =	vmul.f32 v14, v4  }
0x80: {  	v17 =	vsub.f32 v23, v17;
	v27 =	vmul.f32 v15, v5;
	v25 =	vsub.f32 $1.500000000e+00, v51  }
0x81: {  	v23 =	vmul.f32 v26, v19;
	v11 =	vadd.f32 v18, v11;
	v14 =	vmul.f32 v24, v14  }
0x82: {  	v20 =	vsub.f32 v20, v13;
	v24 =	vmul.f32 v22, v6;
	v18 =	vmul.f32 v28, v25  }
0x83: {  	s29 =	simm.s32 $0x350;
	v15 =	vmul.f32 v27, v15;
	v13 =	vsub.f32 $1.500000000e+00, v23;
	v11 =	vadd.f32 v14, v11  }
0x84: {  	v16 =	vsub.f32 v30, v16;
	v23 =	vld [tilespmem:s29+$0x0];
	v22 =	vmul.f32 v24, v22;
	v14 =	vmul.f32 v18, v47  }
0x85: {  	v24 =	vmul.f32 v17, v7;
	v13 =	vmul.f32 v13, v19;
	v11 =	vadd.f32 v15, v11  }
0x86: {  	v19 =	vld [tilespmem:s29+$0xFFFFFFF0];
	v15 =	vmul.f32 v16, v9;
	v14 =	vmul.f32 v14, v18  }
0x87: {  	v17 =	vmul.f32 v24, v17;
	v11 =	vadd.f32 v22, v11;
	v22 =	vmul.f32 v20, v8  }
0x88: {  	v15 =	vmul.f32 v15, v16;
	v14 =	vsub.f32 $1.500000000e+00, v14  }
0x89: {  	v11 =	vadd.f32 v17, v11;
	v16 =	vmul.f32 v22, v20;
	v20 =	vshll.u32 v23, $0x4  }
0x8a: {  	v17 =	vmul.f32 v13, v21;
	v20 =	vand.u32 $0x1F0, v20;
	v14 =	vmul.f32 v14, v18  }
0x8b: {  	v21 =	vshra.s32 v19, $0x1;
	v11 =	vadd.f32 v15, v11;
	v26 =	vor.u32 $0x1, v20  }
0x8c: {  	v15 =	vshra.s32 v23, $0x1;
	v55 =	vor.u32 $0x2, v20;
	v18 =	vmul.f32 v14, v47  }
0x8d: {  	v19 =	vshll.u32 v19, $0x4;
	v21 =	vand.u32 $0xFFFFFFF0, v21;
	v15 =	vand.u32 $0xFFFFFFF0, v15  }
0x8e: {  	v19 =	vand.u32 $0x1F0, v19;
	v56 =	vor.u32 $0x3, v20;
	v18 =	vmul.f32 v18, v14  }
0x8f: {  	v17 =	vmul.f32 v17, v13;
	v24 =	vor.u32 $0x1, v21;
	v23 =	vor.u32 $0x1, v15;
	v54 =	vld.idx.msk [tilespmem:v20+s2+$0x0], $0xffff  }
0x90: {  	v25 =	vor.u32 $0x1, v19;
	v43 =	vor.u32 $0x5, v20;
	v26 =	vld.idx.msk [tilespmem:v26+s2+$0x0], $0xffff;
	v18 =	vsub.f32 $1.500000000e+00, v18  }
0x91: {  	v27 =	vor.u32 $0x2, v21;
	v30 =	vor.u32 $0x3, v21;
	v53 =	vor.u32 $0x2, v15;
	v32 =	vld.idx.msk [tilespmem:v55+s2+$0x0], $0xffff  }
0x92: {  	v33 =	vor.u32 $0x3, v19;
	v22 =	vor.u32 $0x3, v15;
	v52 =	vld.idx.msk [tilespmem:v15+s2+$0x0], $0xffff;
	v14 =	vmul.f32 v18, v14  }
0x93: {  	v35 =	vor.u32 $0x4, v19;
	v37 =	vor.u32 $0x5, v21;
	v46 =	vor.u32 $0x6, v20;
	v34 =	vld.idx.msk [tilespmem:v56+s2+$0x0], $0xffff  }
0x94: {  	v58 =	vor.u32 $0x4, v20;
	v57 =	vor.u32 $0x4, v15;
	v23 =	vld.idx.msk [tilespmem:v23+s2+$0x0], $0xffff;
	v10 =	vmul.f32 v14, v10  }
0x95: {  	v39 =	vor.u32 $0x5, v19;
	v40 =	vor.u32 $0x6, v21;
	v42 =	vor.u32 $0x6, v19;
	v43 =	vld.idx.msk [tilespmem:v43+s2+$0x0], $0xffff  }
0x96: {  	v44 =	vor.u32 $0x7, v21;
	v59 =	vor.u32 $0x5, v15;
	v29 =	vld.idx.msk [tilespmem:v53+s2+$0x0], $0xffff;
	v10 =	vmul.f32 $-3.000000000e+00, v10  }
0x97: {  	v31 =	vor.u32 $0x7, v19;
	v48 =	vor.u32 $0x7, v20;
	v22 =	vld.idx.msk [tilespmem:v22+s2+$0x0], $0xffff;
	v28 =	vsub.f32 v52, v54  }
0x98: {  	v62 =	vor.u32 $0x8, v20;
	v45 =	vor.u32 $0x6, v15;
	v63 =	vld.idx.msk [tilespmem:v46+s2+$0x0], $0xffff;
	v10 =	vmul.f32 $1.442695020e+00, v10  }
0x99: {  	v60 =	vor.u32 $0x7, v15;
	v36 =	vld.idx.msk [tilespmem:v57+s2+$0x0], $0xffff;
	v23 =	vsub.f32 v23, v26;
	v47 =	vmul.f32 v28, v0  }
0x9a: {  	v11 =	vadd.f32 v16, v11;
	v20 =	vor.u32 $0x9, v20;
	(erf) = vpow2.f32 v10;
	v10 =	vld.idx.msk [tilespmem:v58+s2+$0x0], $0xffff  }
0x9b: {  	v41 =	vld.idx.msk [tilespmem:v59+s2+$0x0], $0xffff;
	v29 =	vsub.f32 v29, v32;
	v61 =	vmul.f32 v23, v1;
	v28 =	vmul.f32 v47, v28  }
0x9c: {  	v49 =	vor.u32 $0x8, v15;
	v17 =	vsub.f32 $1.500000000e+00, v17;
	v16 =	vld.idx.msk [tilespmem:v48+s2+$0x0], $0xffff;
	v22 =	vsub.f32 v22, v34  }
0x9d: {  	v45 =	vld.idx.msk [tilespmem:v45+s2+$0x0], $0xffff;
	v51 =	vmul.f32 v29, v2;
	v23 =	vmul.f32 v61, v23;
	v28 =	vadd.f32 $0.0e+00, v28  }
0x9e: {  	v11 =	vmax.f32 v11, $1.000000000e-30;
	v24 =	vld.idx.msk [tilespmem:v24+s2+$0x0], $0xffff;
	v15 =	vor.u32 $0x9, v15;
	v53 =	vmul.f32 v22, v3  }
0x9f: {  	v38 =	vld.idx.msk [tilespmem:v60+s2+$0x0], $0xffff;
	v52 =	vmul.f32 v51, v29;
	v23 =	vadd.f32 v23, v28;
	v36 =	vsub.f32 v36, v10  }
0xa0: {  	v13 =	vmul.f32 v17, v13;
	v46 =	vor.u32 $0x8, v19;
	v20 =	vld.idx.msk [tilespmem:v20+s2+$0x0], $0xffff;
	v41 =	vsub.f32 v41, v43  }
0xa1: {  	v54 =	vld.idx.msk [tilespmem:v49+s2+$0x0], $0xffff;
	v22 =	vmul.f32 v53, v22;
	v23 =	vadd.f32 v52, v23;
	v55 =	vmul.f32 v36, v4  }
0xa2: {  	v12 =	vmul.f32 v13, v12;
	v59 =	vshra.s32 v11, $0x1;
	v32 =	vld.idx.msk [tilespmem:v62+s2+$0x0], $0xffff;
	v34 =	vsub.f32 v45, v63  }
0xa3: {  	v15 =	vld.idx.msk [tilespmem:v15+s2+$0x0], $0xffff;
	v58 =	vmul.f32 v41, v5;
	v22 =	vadd.f32 v22, v23;
	v23 =	vmul.f32 v55, v36  }
0xa4: {  	v60 =	vld.idx.msk [tilespmem:v21+s2+$0x0], $0xffff;
	v18 =	vor.u32 $0x2, v19;
	v14 =	vor.u32 $0x4, v21;
	v16 =	vsub.f32 v38, v16  }
0xa5: {  	v45 =	vmul.f32 v34, v6;
	v61 =	vld.idx.msk [tilespmem:v19+s2+$0x0], $0xffff;
	v22 =	vadd.f32 v23, v22;
	v23 =	vmul.f32 v58, v41  }
0xa6: {  	v25 =	vld.idx.msk [tilespmem:v25+s2+$0x0], $0xffff;
	v49 =	vsub.s32 $0x5F3759DF, v59;
	v26 =	vor.u32 $0x8, v21;
	v63 =	vmul.f32 v16, v7  }
0xa7: {  	v27 =	vld.idx.msk [tilespmem:v27+s2+$0x0], $0xffff;
	v32 =	vsub.f32 v54, v32;
	v22 =	vadd.f32 v23, v22;
	v23 =	vmul.f32 v45, v34  }
0xa8: {  	v62 =	vmul.f32 $5.000000000e-01, v11;
	v21 =	vor.u32 $0x9, v21;
	v15 =	vsub.f32 v15, v20;
	v51 =	vld.idx.msk [tilespmem:v30+s2+$0x0], $0xffff  }
0xa9: {  	v16 =	vmul.f32 v63, v16;
	v52 =	vld.idx.msk [tilespmem:v33+s2+$0x0], $0xffff;
	v22 =	vadd.f32 v23, v22;
	v23 =	vmul.f32 v32, v9  }
0xaa: {  	v13 =	vld.idx.msk [tilespmem:v37+s2+$0x0], $0xffff;
	v20 =	vmul.f32 v49, v62;
	v19 =	vor.u32 $0x9, v19;
	v50 =	vsub.f32 v60, v61  }
0xab: {  	v18 =	vld.idx.msk [tilespmem:v18+s2+$0x0], $0xffff;
	v10 =	vpop (erf);
	v16 =	vadd.f32 v16, v22;
	v22 =	vmul.f32 v23, v32;
	v23 =	vmul.f32 v15, v8  }
0xac: {  	v24 =	vsub.f32 v24, v25;
	v25 =	vld.idx.msk [tilespmem:v40+s2+$0x0], $0xffff;
	v20 =	vmul.f32 v49, v20;
	v17 =	vmul.f32 v50, v0;
	v56 =	vpop (erf)  }
0xad: {  	v14 =	vld.idx.msk [tilespmem:v14+s2+$0x0], $0xffff;
	v57 =	vmul.f32 $5.000000000e+00, v56;
	v16 =	vadd.f32 v22, v16;
	v15 =	vmul.f32 v23, v15  }
0xae: {  	v21 =	vld.idx.msk [tilespmem:v21+s2+$0x0], $0xffff;
	v20 =	vsub.f32 $1.500000000e+00, v20;
	v17 =	vmul.f32 v17, v50;
	v29 =	vsub.f32 v51, v52  }
0xaf: {  	v28 =	vsub.f32 $2.500000000e+00, v57;
	v22 =	vld.idx.msk [tilespmem:v35+s2+$0x0], $0xffff;
	v23 =	vmul.f32 v24, v1;
	v15 =	vadd.f32 v15, v16  }
0xb0: {  	v12 =	vmul.f32 $-3.000000000e+00, v12;
	v19 =	vld.idx.msk [tilespmem:v19+s2+$0x0], $0xffff;
	v17 =	vadd.f32 $0.0e+00, v17;
	v16 =	vsub.f32 v27, v18  }
0xb1: {  	v28 =	vmul.f32 $1.442695020e+00, v28;
	v18 =	vld.idx.msk [tilespmem:v39+s2+$0x0], $0xffff;
	v23 =	vmul.f32 v23, v24;
	v15 =	vmax.f32 v15, $1.000000000e-30  }
0xb2: {  	v27 =	vld.idx.msk [tilespmem:v42+s2+$0x0], $0xffff;
	v24 =	vmul.f32 v16, v2;
	v54 =	vshra.s32 v15, $0x1;
	v55 =	vmul.f32 $5.000000000e-01, v15  }
0xb3: {  	v57 =	vld.idx.msk [tilespmem:v44+s2+$0x0], $0xffff;
	(erf) = vpow2.f32 v28;
	v17 =	vadd.f32 v23, v17;
	v56 =	vsub.s32 $0x5F3759DF, v54  }
0xb4: {  	v14 =	vsub.f32 v14, v22;
	v22 =	vld.idx.msk [tilespmem:v26+s2+$0x0], $0xffff;
	v16 =	vmul.f32 v24, v16;
	v23 =	vmul.f32 v56, v55  }
0xb5: {  	v20 =	vmul.f32 v49, v20;
	v58 =	vmul.f32 v29, v3;
	v24 =	vld.idx.msk [tilespmem:v31+s2+$0x0], $0xffff  }
0xb6: {  	v13 =	vsub.f32 v13, v18;
	v18 =	vld.idx.msk [tilespmem:v46+s2+$0x0], $0xffff;
	v16 =	vadd.f32 v16, v17;
	v17 =	vmul.f32 v56, v23  }
0xb7: {  	v12 =	vmul.f32 $1.442695020e+00, v12;
	v25 =	vsub.f32 v25, v27;
	v26 =	vmul.f32 v14, v4  }
0xb8: {  	v27 =	vmul.f32 v20, v62;
	v23 =	vmul.f32 v58, v29;
	v17 =	vsub.f32 $1.500000000e+00, v17  }
0xb9: {  	v19 =	vsub.f32 v21, v19;
	v59 =	vmul.f32 v13, v5;
	v14 =	vmul.f32 v26, v14  }
0xba: {  	v16 =	vadd.f32 v23, v16;
	v23 =	vmul.f32 v25, v6;
	v17 =	vmul.f32 v56, v17  }
0xbb: {  	v13 =	vmul.f32 v59, v13;
	v24 =	vsub.f32 v57, v24;
	v18 =	vsub.f32 v22, v18  }
0xbc: {  	v53 =	vpop (erf);
	v14 =	vadd.f32 v14, v16;
	v16 =	vmul.f32 v27, v20;
	v22 =	vmul.f32 v17, v55  }
0xbd: {  	s30 =	simm.s32 $0x370;
	v28 =	vadd.f32 $1.000000000e+00, v53;
	v23 =	vmul.f32 v23, v25;
	v25 =	vmul.f32 v24, v7  }
0xbe: {  	v13 =	vadd.f32 v13, v14;
	v14 =	vsub.f32 $1.500000000e+00, v16;
	v21 =	vmul.f32 v22, v17;
	v22 =	vld [tilespmem:s30+$0x0]  }
0xbf: {  	(erf) = vrcp.f32 v28;
	v16 =	vmul.f32 v18, v9  }
0xc0: {  	v24 =	vmul.f32 v25, v24;
	v23 =	vadd.f32 v23, v13;
	v13 =	vmul.f32 v14, v20;
	v14 =	vld [tilespmem:s30+$0xFFFFFFF0]  }
0xc1: {  	v16 =	vmul.f32 v16, v18;
	v18 =	vmul.f32 v19, v8;
	v20 =	vsub.f32 $1.500000000e+00, v21  }
0xc2: {  	(erf) = vpow2.f32 v12;
	v21 =	vadd.f32 v24, v23;
	v23 =	vmul.f32 v13, v62  }
0xc3: {  	v18 =	vmul.f32 v18, v19;
	v17 =	vmul.f32 v20, v17;
	v12 =	vshra.s32 v22, $0x1  }
0xc4: {  	v16 =	vadd.f32 v16, v21;
	v22 =	vshll.u32 v22, $0x4;
	v12 =	vand.u32 $0xFFFFFFF0, v12  }
0xc5: {  	v21 =	vshra.s32 v14, $0x1;
	v14 =	vshll.u32 v14, $0x4;
	v22 =	vand.u32 $0x1F0, v22  }
0xc6: {  	v19 =	vmul.f32 v23, v13;
	v23 =	vand.u32 $0x1F0, v14;
	v14 =	vor.u32 $0x3, v12  }
0xc7: {  	v25 =	vor.u32 $0x1, v12  }
0xc8: {  	v20 =	vmul.f32 v17, v55;
	v60 =	vor.u32 $0x1, v22  }
0xc9: {  	v21 =	vand.u32 $0xFFFFFFF0, v21;
	v62 =	vor.u32 $0x2, v12;
	v61 =	vld.idx.msk [tilespmem:v12+s2+$0x0], $0xffff  }
0xca: {  	v16 =	vadd.f32 v18, v16;
	v51 =	vor.u32 $0x2, v22;
	v20 =	vmul.f32 v20, v17;
	v63 =	vld.idx.msk [tilespmem:v22+s2+$0x0], $0xffff  }
0xcb: {  	v19 =	vsub.f32 $1.500000000e+00, v19;
	v24 =	vor.u32 $0x1, v21;
	v52 =	vor.u32 $0x3, v22;
	v14 =	vld.idx.msk [tilespmem:v14+s2+$0x0], $0xffff  }
0xcc: {  	v26 =	vor.u32 $0x1, v23;
	v53 =	vor.u32 $0x4, v12;
	v20 =	vsub.f32 $1.500000000e+00, v20;
	v25 =	vld.idx.msk [tilespmem:v25+s2+$0x0], $0xffff  }
0xcd: {  	v27 =	vor.u32 $0x2, v21;
	v29 =	vor.u32 $0x2, v23;
	v54 =	vor.u32 $0x4, v22;
	v28 =	vld.idx.msk [tilespmem:v60+s2+$0x0], $0xffff  }
0xce: {  	v32 =	vor.u32 $0x3, v23;
	v55 =	vor.u32 $0x5, v12;
	v17 =	vmul.f32 v20, v17;
	v31 =	vld.idx.msk [tilespmem:v62+s2+$0x0], $0xffff  }
0xcf: {  	v35 =	vor.u32 $0x4, v21;
	v37 =	vor.u32 $0x5, v21;
	v56 =	vor.u32 $0x5, v22;
	v34 =	vld.idx.msk [tilespmem:v51+s2+$0x0], $0xffff  }
0xd0: {  	v39 =	vor.u32 $0x5, v23;
	v57 =	vor.u32 $0x6, v12;
	v36 =	vld.idx.msk [tilespmem:v52+s2+$0x0], $0xffff;
	v15 =	vmul.f32 v17, v15  }
0xd1: {  	v41 =	vor.u32 $0x6, v21;
	v42 =	vor.u32 $0x6, v23;
	v59 =	vor.u32 $0x6, v22;
	v58 =	vld.idx.msk [tilespmem:v53+s2+$0x0], $0xffff  }
0xd2: {  	v44 =	vor.u32 $0x7, v21;
	v13 =	vmul.f32 v19, v13;
	v40 =	vld.idx.msk [tilespmem:v54+s2+$0x0], $0xffff;
	v15 =	vmul.f32 $-3.000000000e+00, v15  }
0xd3: {  	v46 =	vor.u32 $0x7, v23;
	v47 =	vor.u32 $0x8, v21;
	v43 =	vld.idx.msk [tilespmem:v55+s2+$0x0], $0xffff;
	v30 =	vsub.f32 v61, v63  }
0xd4: {  	v11 =	vmul.f32 v13, v11;
	v20 =	vor.u32 $0x3, v21;
	v45 =	vld.idx.msk [tilespmem:v56+s2+$0x0], $0xffff;
	v15 =	vmul.f32 $1.442695020e+00, v15  }
0xd5: {  	v60 =	vor.u32 $0x7, v12;
	v48 =	vld.idx.msk [tilespmem:v57+s2+$0x0], $0xffff;
	v25 =	vsub.f32 v25, v28;
	v50 =	vmul.f32 v30, v0  }
0xd6: {  	v51 =	vor.u32 $0x7, v22;
	v52 =	vor.u32 $0x8, v12;
	v38 =	vld.idx.msk [tilespmem:v59+s2+$0x0], $0xffff;
	(erf) = vpow2.f32 v15  }
0xd7: {  	v24 =	vld.idx.msk [tilespmem:v24+s2+$0x0], $0xffff;
	v31 =	vsub.f32 v31, v34;
	v61 =	vmul.f32 v25, v1;
	v30 =	vmul.f32 v50, v30  }
0xd8: {  	v62 =	vor.u32 $0x8, v22;
	v53 =	vor.u32 $0x9, v12;
	v26 =	vld.idx.msk [tilespmem:v26+s2+$0x0], $0xffff;
	v36 =	vsub.f32 v14, v36  }
0xd9: {  	v27 =	vld.idx.msk [tilespmem:v27+s2+$0x0], $0xffff;
	v63 =	vmul.f32 v31, v2;
	v25 =	vmul.f32 v61, v25;
	v14 =	vadd.f32 $0.0e+00, v30  }
0xda: {  	v12 =	vpop (erf);
	v22 =	vor.u32 $0x9, v22;
	v11 =	vmul.f32 $-3.000000000e+00, v11;
	v49 =	vld.idx.msk [tilespmem:v60+s2+$0x0], $0xffff;
	v33 =	vsub.f32 v58, v40  }
0xdb: {  	v18 =	vpop (erf);
	v54 =	vld.idx.msk [tilespmem:v51+s2+$0x0], $0xffff;
	v55 =	vmul.f32 v36, v3;
	v30 =	vmul.f32 v63, v31;
	v25 =	vadd.f32 v25, v14  }
0xdc: {  	v17 =	vor.u32 $0x4, v23;
	v18 =	vmul.f32 $5.000000000e+00, v18;
	v56 =	vld.idx.msk [tilespmem:v52+s2+$0x0], $0xffff;
	v43 =	vsub.f32 v43, v45  }
0xdd: {  	v34 =	vld.idx.msk [tilespmem:v62+s2+$0x0], $0xffff;
	v57 =	vmul.f32 v33, v4;
	v58 =	vmul.f32 v55, v36;
	v25 =	vadd.f32 v30, v25  }
0xde: {  	v28 =	vor.u32 $0x9, v21;
	v38 =	vsub.f32 v48, v38;
	v21 =	vld.idx.msk [tilespmem:v21+s2+$0x0], $0xffff;
	v60 =	vmul.f32 v43, v5  }
0xdf: {  	v52 =	vld.idx.msk [tilespmem:v23+s2+$0x0], $0xffff;
	v62 =	vmul.f32 v57, v33;
	v14 =	vmax.f32 v16, $1.000000000e-30;
	v25 =	vadd.f32 v58, v25;
	v16 =	vpop (erf)  }
0xe0: {  	v18 =	vsub.f32 $2.500000000e+00, v18;
	v59 =	vld.idx.msk [tilespmem:v53+s2+$0x0], $0xffff;
	v63 =	vmul.f32 v38, v6;
	v16 =	vmul.f32 $5.000000000e+00, v16  }
0xe1: {  	v22 =	vld.idx.msk [tilespmem:v22+s2+$0x0], $0xffff;
	v40 =	vsub.f32 v49, v54;
	v54 =	vmul.f32 v60, v43;
	v25 =	vadd.f32 v62, v25  }
0xe2: {  	v29 =	vld.idx.msk [tilespmem:v29+s2+$0x0], $0xffff;
	v11 =	vmul.f32 $1.442695020e+00, v11;
	v24 =	vsub.f32 v24, v26;
	v16 =	vsub.f32 $2.500000000e+00, v16  }
0xe3: {  	v32 =	vld.idx.msk [tilespmem:v32+s2+$0x0], $0xffff;
	v55 =	vmul.f32 v40, v7;
	v57 =	vmul.f32 v63, v38;
	v25 =	vadd.f32 v54, v25  }
0xe4: {  	v19 =	vld.idx.msk [tilespmem:v35+s2+$0x0], $0xffff;
	v34 =	vsub.f32 v56, v34;
	v21 =	vsub.f32 v21, v52;
	v16 =	vmul.f32 $1.442695020e+00, v16  }
0xe5: {  	v20 =	vld.idx.msk [tilespmem:v20+s2+$0x0], $0xffff;
	v61 =	vshra.s32 v14, $0x1;
	v58 =	vmul.f32 v55, v40;
	v25 =	vadd.f32 v57, v25  }
0xe6: {  	v26 =	vld.idx.msk [tilespmem:v37+s2+$0x0], $0xffff;
	(erf) = vpow2.f32 v16;
	v16 =	vsub.f32 v59, v22;
	v59 =	vmul.f32 v34, v9  }
0xe7: {  	v17 =	vld.idx.msk [tilespmem:v17+s2+$0x0], $0xffff;
	v15 =	vor.u32 $0x8, v23;
	v56 =	vsub.s32 $0x5F3759DF, v61;
	v62 =	vmul.f32 v21, v0  }
0xe8: {  	v63 =	vld.idx.msk [tilespmem:v39+s2+$0x0], $0xffff;
	v25 =	vadd.f32 v58, v25;
	v60 =	vmul.f32 v59, v34;
	v61 =	vmul.f32 v16, v8  }
0xe9: {  	v27 =	vsub.f32 v27, v29;
	v18 =	vmul.f32 $1.442695020e+00, v18;
	v13 =	vmul.f32 v62, v21  }
0xea: {  	v21 =	vmul.f32 v24, v1;
	v25 =	vadd.f32 v60, v25;
	v16 =	vmul.f32 v61, v16  }
0xeb: {  	v23 =	vor.u32 $0x9, v23;
	v20 =	vsub.f32 v20, v32;
	v53 =	vmul.f32 $5.000000000e-01, v14  }
0xec: {  	v50 =	vld.idx.msk [tilespmem:v47+s2+$0x0], $0xffff;
	v21 =	vmul.f32 v21, v24;
	v24 =	vmul.f32 v27, v2;
	v16 =	vadd.f32 v16, v25  }
0xed: {  	v17 =	vsub.f32 v19, v17;
	v15 =	vld.idx.msk [tilespmem:v15+s2+$0x0], $0xffff;
	v19 =	vsub.f32 v26, v63;
	v22 =	vmul.f32 v56, v53  }
0xee: {  	v40 =	vld.idx.msk [tilespmem:v42+s2+$0x0], $0xffff;
	v13 =	vadd.f32 $0.0e+00, v13;
	v24 =	vmul.f32 v24, v27;
	v16 =	vmax.f32 v16, $1.000000000e-30  }
0xef: {  	v22 =	vmul.f32 v56, v22;
	v25 =	vld.idx.msk [tilespmem:v41+s2+$0x0], $0xffff;
	v42 =	vshra.s32 v16, $0x1;
	v43 =	vmul.f32 $5.000000000e-01, v16  }
0xf0: {  	v13 =	vadd.f32 v21, v13;
	v21 =	vld.idx.msk [tilespmem:v46+s2+$0x0], $0xffff;
	v46 =	vmul.f32 v20, v3;
	v27 =	vsub.s32 $0x5F3759DF, v42  }
0xf1: {  	v29 =	vmul.f32 v19, v5;
	v22 =	vsub.f32 $1.500000000e+00, v22;
	v48 =	vmul.f32 v27, v43  }
0xf2: {  	v45 =	vld.idx.msk [tilespmem:v44+s2+$0x0], $0xffff;
	v20 =	vmul.f32 v46, v20;
	v13 =	vadd.f32 v24, v13;
	v24 =	vmul.f32 v17, v4  }
0xf3: {  	v15 =	vsub.f32 v50, v15;
	v22 =	vmul.f32 v56, v22;
	v26 =	vmul.f32 v27, v48  }
0xf4: {  	v13 =	vadd.f32 v20, v13;
	v17 =	vmul.f32 v24, v17;
	v25 =	vsub.f32 v25, v40  }
0xf5: {  	v28 =	vld.idx.msk [tilespmem:v28+s2+$0x0], $0xffff;
	v19 =	vmul.f32 v29, v19;
	v51 =	vmul.f32 v22, v53;
	v41 =	vpop (erf);
	v26 =	vsub.f32 $1.500000000e+00, v26  }
0xf6: {  	v23 =	vld.idx.msk [tilespmem:v23+s2+$0x0], $0xffff;
	v13 =	vadd.f32 v17, v13;
	v31 =	vadd.f32 $1.000000000e+00, v41;
	v52 =	vmul.f32 v25, v6  }
0xf7: {  	v20 =	vsub.f32 v45, v21;
	v17 =	vmul.f32 v51, v22;
	v24 =	vmul.f32 v27, v26  }
0xf8: {  	v13 =	vadd.f32 v19, v13;
	(erf) = vrcp.f32 v31;
	v21 =	vmul.f32 v52, v25  }
0xf9: {  	s31 =	simm.s32 $0x390;
	v17 =	vsub.f32 $1.500000000e+00, v17;
	v25 =	vmul.f32 v20, v7;
	v26 =	vmul.f32 v24, v43  }
0xfa: {  	(erf) = vpow2.f32 v11;
	v27 =	vmul.f32 v15, v9;
	v13 =	vadd.f32 v21, v13;
	v21 =	vld [tilespmem:s31+$0xFFFFFFF0]  }
0xfb: {  	v19 =	vsub.f32 v28, v23;
	v20 =	vmul.f32 v25, v20;
	v23 =	vmul.f32 v26, v24;
	v26 =	vld [tilespmem:s31+$0x0]  }
0xfc: {  	v25 =	vmul.f32 v27, v15;
	v15 =	vmul.f32 v17, v22  }
0xfd: {  	v17 =	vmul.f32 v19, v8;
	v13 =	vadd.f32 v20, v13;
	v22 =	vsub.f32 $1.500000000e+00, v23  }
0xfe: {  	(erf) = vpow2.f32 v18  }
0xff: {  	v19 =	vmul.f32 v17, v19;
	v11 =	vadd.f32 v25, v13;
	v17 =	vmul.f32 v22, v24  }
0x100: {  	v22 =	vshra.s32 v21, $0x1;
	v21 =	vshll.u32 v21, $0x4;
	v13 =	vshra.s32 v26, $0x1  }
0x101: {  	v23 =	vshll.u32 v26, $0x4;
	v22 =	vand.u32 $0xFFFFFFF0, v22;
	v21 =	vand.u32 $0x1F0, v21  }
0x102: {  	v18 =	vmul.f32 v17, v43;
	v13 =	vand.u32 $0xFFFFFFF0, v13;
	v23 =	vand.u32 $0x1F0, v23  }
0x103: {  	v25 =	vor.u32 $0x1, v22;
	v27 =	vor.u32 $0x1, v21;
	v28 =	vor.u32 $0x2, v22  }
0x104: {  	v32 =	vor.u32 $0x3, v22;
	v36 =	vor.u32 $0x4, v22;
	v39 =	vor.u32 $0x5, v22  }
0x105: {  	v42 =	vor.u32 $0x6, v22;
	v45 =	vor.u32 $0x7, v22;
	v48 =	vor.u32 $0x8, v22  }
0x106: {  	v51 =	vor.u32 $0x9, v22;
	v24 =	vor.u32 $0x3, v13;
	v18 =	vmul.f32 v18, v17;
	v22 =	vld.idx.msk [tilespmem:v22+s2+$0x0], $0xffff  }
0x107: {  	v26 =	vor.u32 $0x1, v13;
	v56 =	vld.idx.msk [tilespmem:v23+s2+$0x0], $0xffff  }
0x108: {  	v20 =	vmul.f32 v15, v53;
	v53 =	vor.u32 $0x1, v23;
	v18 =	vsub.f32 $1.500000000e+00, v18;
	v25 =	vld.idx.msk [tilespmem:v25+s2+$0x0], $0xffff  }
0x109: {  	v54 =	vor.u32 $0x2, v13;
	v27 =	vld.idx.msk [tilespmem:v27+s2+$0x0], $0xffff  }
0x10a: {  	v55 =	vor.u32 $0x2, v23;
	v17 =	vmul.f32 v18, v17;
	v18 =	vld.idx.msk [tilespmem:v13+s2+$0x0], $0xffff  }
0x10b: {  	v20 =	vmul.f32 v20, v15;
	v11 =	vadd.f32 v19, v11;
	v57 =	vor.u32 $0x3, v23;
	v24 =	vld.idx.msk [tilespmem:v24+s2+$0x0], $0xffff  }
0x10c: {  	v58 =	vor.u32 $0x4, v23;
	v26 =	vld.idx.msk [tilespmem:v26+s2+$0x0], $0xffff;
	v16 =	vmul.f32 v17, v16  }
0x10d: {  	v11 =	vmax.f32 v11, $1.000000000e-30;
	v20 =	vsub.f32 $1.500000000e+00, v20;
	v59 =	vor.u32 $0x5, v13;
	v29 =	vld.idx.msk [tilespmem:v53+s2+$0x0], $0xffff  }
0x10e: {  	v30 =	vor.u32 $0x2, v21;
	v31 =	vld.idx.msk [tilespmem:v54+s2+$0x0], $0xffff;
	v17 =	vor.u32 $0x4, v13;
	v16 =	vmul.f32 $-3.000000000e+00, v16  }
0x10f: {  	v33 =	vor.u32 $0x3, v21;
	v38 =	vor.u32 $0x4, v21;
	v61 =	vor.u32 $0x5, v23;
	v34 =	vld.idx.msk [tilespmem:v55+s2+$0x0], $0xffff  }
0x110: {  	v40 =	vor.u32 $0x5, v21;
	v63 =	vor.u32 $0x6, v23;
	v37 =	vld.idx.msk [tilespmem:v57+s2+$0x0], $0xffff;
	v16 =	vmul.f32 $1.442695020e+00, v16  }
0x111: {  	v43 =	vor.u32 $0x6, v21;
	v47 =	vor.u32 $0x7, v21;
	v41 =	vld.idx.msk [tilespmem:v58+s2+$0x0], $0xffff;
	v18 =	vsub.f32 v18, v56  }
0x112: {  	v50 =	vor.u32 $0x8, v21;
	v62 =	vor.u32 $0x6, v13;
	v44 =	vld.idx.msk [tilespmem:v59+s2+$0x0], $0xffff;
	(erf) = vpow2.f32 v16  }
0x113: {  	v52 =	vor.u32 $0x7, v13;
	v26 =	vsub.f32 v26, v29;
	v16 =	vld.idx.msk [tilespmem:v17+s2+$0x0], $0xffff;
	v17 =	vmul.f32 v18, v0  }
0x114: {  	v60 =	vor.u32 $0x7, v23;
	v55 =	vor.u32 $0x8, v23;
	v46 =	vld.idx.msk [tilespmem:v61+s2+$0x0], $0xffff;
	v23 =	vor.u32 $0x9, v23  }
0x115: {  	v35 =	vld.idx.msk [tilespmem:v63+s2+$0x0], $0xffff;
	v31 =	vsub.f32 v31, v34;
	v56 =	vmul.f32 v26, v1;
	v18 =	vmul.f32 v17, v18  }
0x116: {  	v53 =	vor.u32 $0x9, v21;
	v54 =	vor.u32 $0x8, v13;
	v21 =	vld.idx.msk [tilespmem:v21+s2+$0x0], $0xffff;
	v24 =	vsub.f32 v24, v37  }
0x117: {  	v34 =	vld.idx.msk [tilespmem:v62+s2+$0x0], $0xffff;
	v63 =	vmul.f32 v31, v2;
	v26 =	vmul.f32 v56, v26;
	v62 =	vadd.f32 $0.0e+00, v18  }
0x118: {  	v15 =	vmul.f32 v20, v15;
	v52 =	vld.idx.msk [tilespmem:v52+s2+$0x0], $0xffff;
	v13 =	vor.u32 $0x9, v13;
	v59 =	vmul.f32 v24, v3;
	v17 =	vpop (erf)  }
0x119: {  	v29 =	vld.idx.msk [tilespmem:v60+s2+$0x0], $0xffff;
	v31 =	vmul.f32 v63, v31;
	v61 =	vpop (erf);
	v16 =	vsub.f32 v16, v41;
	v26 =	vadd.f32 v26, v62  }
0x11a: {  	v25 =	vsub.f32 v25, v27;
	v44 =	vsub.f32 v44, v46;
	v23 =	vld.idx.msk [tilespmem:v23+s2+$0x0], $0xffff;
	v24 =	vmul.f32 v59, v24;
	v18 =	vpop (erf)  }
0x11b: {  	v41 =	vld.idx.msk [tilespmem:v54+s2+$0x0], $0xffff;
	v19 =	vmul.f32 $5.000000000e+00, v61;
	v60 =	vmul.f32 v16, v4;
	v26 =	vadd.f32 v31, v26;
	v61 =	vpop (erf)  }
0x11c: {  	v21 =	vsub.f32 v22, v21;
	v56 =	vmul.f32 v44, v5;
	v62 =	vld.idx.msk [tilespmem:v55+s2+$0x0], $0xffff;
	v63 =	vmul.f32 $5.000000000e+00, v61  }
0x11d: {  	v34 =	vsub.f32 v34, v35;
	v55 =	vld.idx.msk [tilespmem:v13+s2+$0x0], $0xffff;
	v16 =	vmul.f32 v60, v16;
	v24 =	vadd.f32 v24, v26  }
0x11e: {  	v57 =	vshra.s32 v11, $0x1;
	v29 =	vsub.f32 v52, v29;
	v26 =	vsub.f32 $2.500000000e+00, v63  }
0x11f: {  	v58 =	vmul.f32 v34, v6;
	v16 =	vadd.f32 v16, v24;
	v24 =	vmul.f32 v56, v44  }
0x120: {  	v36 =	vld.idx.msk [tilespmem:v36+s2+$0x0], $0xffff;
	v35 =	vsub.s32 $0x5F3759DF, v57;
	v59 =	vmul.f32 v29, v7;
	v26 =	vmul.f32 $1.442695020e+00, v26  }
0x121: {  	v27 =	vld.idx.msk [tilespmem:v38+s2+$0x0], $0xffff;
	v41 =	vsub.f32 v41, v62;
	v16 =	vadd.f32 v24, v16;
	v24 =	vmul.f32 v58, v34  }
0x122: {  	v30 =	vld.idx.msk [tilespmem:v30+s2+$0x0], $0xffff;
	v13 =	vmul.f32 $5.000000000e-01, v11;
	v23 =	vsub.f32 v55, v23;
	(erf) = vpow2.f32 v26  }
0x123: {  	v20 =	vld.idx.msk [tilespmem:v33+s2+$0x0], $0xffff;
	v61 =	vmul.f32 v41, v9;
	v16 =	vadd.f32 v24, v16;
	v24 =	vmul.f32 v59, v29  }
0x124: {  	v37 =	vmul.f32 v21, v0;
	v60 =	vmul.f32 v35, v13;
	v26 =	vld.idx.msk [tilespmem:v28+s2+$0x0], $0xffff  }
0x125: {  	v62 =	vld.idx.msk [tilespmem:v32+s2+$0x0], $0xffff;
	v63 =	vmul.f32 v23, v8;
	v16 =	vadd.f32 v24, v16;
	v24 =	vmul.f32 v61, v41  }
0x126: {  	v21 =	vmul.f32 v37, v21;
	v27 =	vsub.f32 v36, v27;
	v22 =	vmul.f32 v35, v60  }
0x127: {  	v23 =	vmul.f32 v63, v23;
	v16 =	vadd.f32 v24, v16;
	v24 =	vld.idx.msk [tilespmem:v39+s2+$0x0], $0xffff;
	v39 =	vmul.f32 v25, v1  }
0x128: {  	v14 =	vmul.f32 v15, v14;
	v21 =	vadd.f32 $0.0e+00, v21;
	v22 =	vsub.f32 $1.500000000e+00, v22  }
0x129: {  	v40 =	vld.idx.msk [tilespmem:v40+s2+$0x0], $0xffff;
	v26 =	vsub.f32 v26, v30;
	v23 =	vadd.f32 v23, v16;
	v25 =	vmul.f32 v39, v25  }
0x12a: {  	v44 =	vld.idx.msk [tilespmem:v43+s2+$0x0], $0xffff;
	v15 =	vmul.f32 v35, v22;
	v20 =	vsub.f32 v62, v20;
	v16 =	vmul.f32 $-3.000000000e+00, v14  }
0x12b: {  	v22 =	vld.idx.msk [tilespmem:v42+s2+$0x0], $0xffff;
	v41 =	vmul.f32 v26, v2;
	v14 =	vmax.f32 v23, $1.000000000e-30;
	v25 =	vadd.f32 v25, v21;
	v42 =	vpop (erf)  }
0x12c: {  	v46 =	vld.idx.msk [tilespmem:v45+s2+$0x0], $0xffff;
	v49 =	vshra.s32 v14, $0x1;
	v21 =	vmul.f32 $5.000000000e-01, v14;
	v23 =	vadd.f32 $1.000000000e+00, v42  }
0x12d: {  	v52 =	vld.idx.msk [tilespmem:v47+s2+$0x0], $0xffff;
	v55 =	vmul.f32 v20, v3;
	v26 =	vmul.f32 v41, v26;
	v54 =	vsub.s32 $0x5F3759DF, v49  }
0x12e: {  	v57 =	vld.idx.msk [tilespmem:v50+s2+$0x0], $0xffff;
	v56 =	vmul.f32 v54, v21;
	(erf) = vrcp.f32 v23  }
0x12f: {  	v19 =	vsub.f32 $2.500000000e+00, v19;
	v60 =	vmul.f32 v27, v4;
	v20 =	vmul.f32 v55, v20;
	v23 =	vld.idx.msk [tilespmem:v48+s2+$0x0], $0xffff  }
0x130: {  	v22 =	vsub.f32 v22, v44;
	v25 =	vadd.f32 v26, v25;
	v29 =	vmul.f32 v54, v56  }
0x131: {  	v27 =	vmul.f32 v60, v27;
	v58 =	vld.idx.msk [tilespmem:v51+s2+$0x0], $0xffff;
	v24 =	vsub.f32 v24, v40;
	v26 =	vmul.f32 v15, v13  }
0x132: {  	v59 =	vld.idx.msk [tilespmem:v53+s2+$0x0], $0xffff;
	v25 =	vadd.f32 v20, v25;
	v20 =	vmul.f32 v22, v6;
	v29 =	vsub.f32 $1.500000000e+00, v29  }
0x133: {  	v31 =	vsub.f32 v46, v52;
	v61 =	vmul.f32 v24, v5;
	v26 =	vmul.f32 v26, v15  }
0x134: {  	s13 =	simm.s32 $0x510;
	v22 =	vmul.f32 v20, v22;
	v62 =	vsub.f32 v23, v57;
	v20 =	vmul.f32 v54, v29  }
0x135: {  	s14 =	simm.s32 $0x530;
	[tilespmem:s13+$0x0] =	vst v10;
	v24 =	vmul.f32 v61, v24;
	v10 =	vadd.f32 v27, v25;
	v27 =	vmul.f32 v31, v7  }
0x136: {  	s15 =	simm.s32 $0x550;
	[tilespmem:s14+$0x0] =	vst v12;
	v12 =	vsub.f32 $1.500000000e+00, v26;
	v63 =	vmul.f32 v62, v9;
	v29 =	vmul.f32 v20, v21  }
0x137: {  	s16 =	simm.s32 $0x570;
	[tilespmem:s15+$0x0] =	vst v17;
	v23 =	vsub.f32 v58, v59;
	v25 =	vadd.f32 v24, v10;
	v24 =	vmul.f32 v27, v31;
	v17 =	vpop (erf)  }
0x138: {  	s17 =	simm.s32 $0x8;
	s18 =	simm.s32 $0x3B0;
	v10 =	vadd.f32 $1.000000000e+00, v18;
	v26 =	vmul.f32 v29, v20;
	[tilespmem:s16+$0x0] =	vst v17;
	v17 =	vmul.f32 v63, v62  }
.LBB2_2:
0x139: {  	v18 =	vld [tilespmem:s18+$0x0];
	v22 =	vadd.f32 v22, v25;
	v25 =	vmul.f32 v23, v8;
	v12 =	vmul.f32 v12, v15  }
0x13a: {  	v16 =	vmul.f32 $1.442695020e+00, v16;
	v19 =	vmul.f32 $1.442695020e+00, v19;
	v27 =	vld [tilespmem:s18+$0xFFFFFFF0];
	v15 =	vsub.f32 $1.500000000e+00, v26  }
0x13b: {  	s17 =	sadd.s32 $0x2, s17;
	v22 =	vadd.f32 v24, v22;
	v31 =	vmul.f32 v25, v23;
	v13 =	vmul.f32 v12, v13  }
0x13c: {  	p0 =	slt.u32 s17, $0x1E;
	v20 =	vmul.f32 v15, v20;
	(erf) = vpow2.f32 v16  }
0x13d: {  	v32 =	vadd.f32 v17, v22;
	v15 =	vmul.f32 v13, v12;
	(erf) = vpow2.f32 v19  }
0x13e: {  	v13 =	vshra.s32 v18, $0x1;
	v16 =	vmul.f32 v20, v21;
	(erf) = vrcp.f32 v10  }
0x13f: {  	v17 =	vshll.u32 v18, $0x4;
	v10 =	vshra.s32 v27, $0x1;
	v13 =	vand.u32 $0xFFFFFFF0, v13  }
0x140: {  	v18 =	vshll.u32 v27, $0x4;
	v33 =	vand.u32 $0x1F0, v17;
	v16 =	vmul.f32 v16, v20  }
0x141: {  	v34 =	vand.u32 $0xFFFFFFF0, v10;
	v35 =	vand.u32 $0x1F0, v18;
	v10 =	vor.u32 $0x3, v13  }
0x142: {  	v17 =	vor.u32 $0x1, v13;
	v36 =	vor.u32 $0x1, v34;
	v16 =	vsub.f32 $1.500000000e+00, v16  }
0x143: {  	v18 =	vor.u32 $0x1, v33;
	v37 =	vor.u32 $0x1, v35;
	v30 =	vor.u32 $0x2, v34  }
0x144: {  	v21 =	vor.u32 $0x2, v13;
	v28 =	vor.u32 $0x2, v35;
	v19 =	vld.idx.msk [tilespmem:v13+s2+$0x0], $0xffff;
	v16 =	vmul.f32 v16, v20  }
0x145: {  	v22 =	vor.u32 $0x2, v33;
	v29 =	vor.u32 $0x3, v34;
	v24 =	vor.u32 $0x3, v35;
	v20 =	vld.idx.msk [tilespmem:v33+s2+$0x0], $0xffff;
	v38 =	vpop (erf)  }
0x146: {  	v40 =	vor.u32 $0x3, v33;
	v26 =	vor.u32 $0x4, v34;
	v39 =	vld.idx.msk [tilespmem:v10+s2+$0x0], $0xffff;
	v14 =	vmul.f32 v16, v14;
	v10 =	vpop (erf)  }
0x147: {  	v25 =	vor.u32 $0x4, v35;
	v23 =	vor.u32 $0x5, v34;
	v41 =	vld.idx.msk [tilespmem:v17+s2+$0x0], $0xffff;
	v17 =	vor.u32 $0x4, v13;
	v27 =	vpop (erf)  }
0x148: {  	v43 =	vor.u32 $0x4, v33;
	v16 =	vor.u32 $0x5, v35;
	v42 =	vld.idx.msk [tilespmem:v18+s2+$0x0], $0xffff;
	v18 =	vmul.f32 $-3.000000000e+00, v14;
	[tilespmem:s13+$0xFFFFFFF0] =	vst v27;
	s13 =	smov.u32 s14;
	s14 =	smov.u32 s15;
	s15 =	smov.u32 s16  }
0x149: {  	v45 =	vor.u32 $0x5, v13;
	v27 =	vor.u32 $0x6, v34;
	v14 =	vor.u32 $0x6, v35;
	v44 =	vld.idx.msk [tilespmem:v21+s2+$0x0], $0xffff  }
0x14a: {  	v47 =	vor.u32 $0x5, v33;
	v21 =	vor.u32 $0x7, v34;
	v46 =	vld.idx.msk [tilespmem:v22+s2+$0x0], $0xffff;
	v48 =	vmul.f32 $1.442695020e+00, v18  }
0x14b: {  	v49 =	vor.u32 $0x6, v13;
	v22 =	vor.u32 $0x7, v35;
	v18 =	vor.u32 $0x8, v34;
	v40 =	vld.idx.msk [tilespmem:v40+s2+$0x0], $0xffff  }
0x14c: {  	v52 =	vor.u32 $0x6, v33;
	v50 =	vsub.f32 v19, v20;
	v51 =	vld.idx.msk [tilespmem:v17+s2+$0x0], $0xffff;
	(erf) = vpow2.f32 v48  }
0x14d: {  	v19 =	vor.u32 $0x8, v35;
	v17 =	vor.u32 $0x9, v34;
	v48 =	vor.u32 $0x7, v13;
	v43 =	vld.idx.msk [tilespmem:v43+s2+$0x0], $0xffff  }
0x14e: {  	v53 =	vmul.f32 v50, v0;
	v41 =	vsub.f32 v41, v42;
	v42 =	vld.idx.msk [tilespmem:v45+s2+$0x0], $0xffff;
	v45 =	vor.u32 $0x7, v33  }
0x14f: {  	v54 =	vor.u32 $0x8, v13;
	v55 =	vor.u32 $0x8, v33;
	v20 =	vor.u32 $0x9, v35;
	v47 =	vld.idx.msk [tilespmem:v47+s2+$0x0], $0xffff  }
0x150: {  	v50 =	vmul.f32 v53, v50;
	v53 =	vmul.f32 v41, v1;
	v44 =	vsub.f32 v44, v46;
	v46 =	vld.idx.msk [tilespmem:v49+s2+$0x0], $0xffff  }
0x151: {  	v13 =	vor.u32 $0x9, v13;
	v33 =	vor.u32 $0x9, v33;
	v39 =	vsub.f32 v39, v40;
	v40 =	vld.idx.msk [tilespmem:v52+s2+$0x0], $0xffff  }
0x152: {  	v49 =	vadd.f32 $0.0e+00, v50;
	v41 =	vmul.f32 v53, v41;
	v50 =	vmul.f32 v44, v2;
	v48 =	vld.idx.msk [tilespmem:v48+s2+$0x0], $0xffff  }
0x153: {  	v31 =	vadd.f32 v31, v32;
	v32 =	vmul.f32 $5.000000000e+00, v38;
	v43 =	vsub.f32 v51, v43;
	v45 =	vld.idx.msk [tilespmem:v45+s2+$0x0], $0xffff  }
0x154: {  	v38 =	vadd.f32 v41, v49;
	v41 =	vmul.f32 v50, v44;
	v44 =	vmul.f32 v39, v3;
	v49 =	vld.idx.msk [tilespmem:v54+s2+$0x0], $0xffff  }
0x155: {  	v31 =	vmax.f32 v31, $1.000000000e-30;
	v50 =	vmul.f32 v43, v4;
	v42 =	vsub.f32 v42, v47;
	v47 =	vld.idx.msk [tilespmem:v55+s2+$0x0], $0xffff;
	v51 =	vpop (erf)  }
0x156: {  	v38 =	vadd.f32 v41, v38;
	v39 =	vmul.f32 v44, v39;
	v41 =	vld.idx.msk [tilespmem:v13+s2+$0x0], $0xffff;
	v13 =	vmul.f32 $5.000000000e+00, v51  }
0x157: {  	v44 =	vmul.f32 v42, v5;
	v40 =	vsub.f32 v46, v40;
	v46 =	vshra.s32 v31, $0x1;
	v33 =	vld.idx.msk [tilespmem:v33+s2+$0x0], $0xffff  }
0x158: {  	v38 =	vadd.f32 v39, v38;
	v39 =	vmul.f32 v50, v43;
	v34 =	vld.idx.msk [tilespmem:v34+s2+$0x0], $0xffff;
	v43 =	vsub.f32 $2.500000000e+00, v13  }
0x159: {  	v50 =	vmul.f32 v40, v6;
	v45 =	vsub.f32 v48, v45;
	v13 =	vmul.f32 $5.000000000e-01, v31;
	v35 =	vld.idx.msk [tilespmem:v35+s2+$0x0], $0xffff  }
0x15a: {  	v38 =	vadd.f32 v39, v38;
	v39 =	vmul.f32 v44, v42;
	v36 =	vld.idx.msk [tilespmem:v36+s2+$0x0], $0xffff;
	v42 =	vmul.f32 $1.442695020e+00, v43  }
0x15b: {  	v46 =	vsub.s32 $0x5F3759DF, v46;
	v43 =	vmul.f32 v45, v7;
	v44 =	vsub.f32 v49, v47;
	v37 =	vld.idx.msk [tilespmem:v37+s2+$0x0], $0xffff  }
0x15c: {  	v38 =	vadd.f32 v39, v38;
	v39 =	vmul.f32 v50, v40;
	v30 =	vld.idx.msk [tilespmem:v30+s2+$0x0], $0xffff;
	(erf) = vpow2.f32 v42  }
0x15d: {  	v15 =	vsub.f32 $1.500000000e+00, v15;
	v40 =	vmul.f32 v46, v13;
	v33 =	vsub.f32 v41, v33;
	v28 =	vld.idx.msk [tilespmem:v28+s2+$0x0], $0xffff  }
0x15e: {  	v41 =	vmul.f32 v44, v9;
	v38 =	vadd.f32 v39, v38;
	v39 =	vmul.f32 v43, v45;
	v29 =	vld.idx.msk [tilespmem:v29+s2+$0x0], $0xffff  }
0x15f: {  	v12 =	vmul.f32 v15, v12;
	v34 =	vsub.f32 v34, v35;
	v35 =	vmul.f32 v46, v40;
	v24 =	vld.idx.msk [tilespmem:v24+s2+$0x0], $0xffff  }
0x160: {  	v15 =	vadd.f32 v39, v38;
	v38 =	vmul.f32 v41, v44;
	v39 =	vmul.f32 v33, v8;
	v26 =	vld.idx.msk [tilespmem:v26+s2+$0x0], $0xffff  }
0x161: {  	v40 =	vmul.f32 v34, v0;
	v36 =	vsub.f32 v36, v37;
	v35 =	vsub.f32 $1.500000000e+00, v35;
	v25 =	vld.idx.msk [tilespmem:v25+s2+$0x0], $0xffff  }
0x162: {  	v37 =	vmul.f32 v12, v11;
	v15 =	vadd.f32 v38, v15;
	v33 =	vmul.f32 v39, v33;
	v23 =	vld.idx.msk [tilespmem:v23+s2+$0x0], $0xffff  }
0x163: {  	v12 =	vmul.f32 v40, v34;
	v34 =	vmul.f32 v36, v1;
	v28 =	vsub.f32 v30, v28;
	v30 =	vld.idx.msk [tilespmem:v16+s2+$0x0], $0xffff  }
0x164: {  	v11 =	vmovc v31;
	v33 =	vadd.f32 v33, v15;
	v15 =	vmul.f32 v46, v35;
	v16 =	vmul.f32 $-3.000000000e+00, v37;
	v27 =	vld.idx.msk [tilespmem:v27+s2+$0x0], $0xffff  }
0x165: {  	v12 =	vadd.f32 $0.0e+00, v12;
	v31 =	vmul.f32 v34, v36;
	v34 =	vmul.f32 v28, v2;
	v35 =	vld.idx.msk [tilespmem:v14+s2+$0x0], $0xffff;
	v36 =	vpop (erf)  }
0x166: {  	v24 =	vsub.f32 v29, v24;
	v14 =	vmax.f32 v33, $1.000000000e-30;
	v29 =	vld.idx.msk [tilespmem:v21+s2+$0x0], $0xffff;
	v33 =	vadd.f32 $1.000000000e+00, v36  }
0x167: {  	v12 =	vadd.f32 v31, v12;
	v31 =	vshra.s32 v14, $0x1;
	v21 =	vmul.f32 $5.000000000e-01, v14;
	v22 =	vld.idx.msk [tilespmem:v22+s2+$0x0], $0xffff  }
0x168: {  	v28 =	vmul.f32 v34, v28;
	v31 =	vsub.s32 $0x5F3759DF, v31;
	v18 =	vld.idx.msk [tilespmem:v18+s2+$0x0], $0xffff;
	(erf) = vrcp.f32 v33  }
0x169: {  	v25 =	vsub.f32 v26, v25;
	v33 =	vmul.f32 v24, v3;
	v26 =	vld.idx.msk [tilespmem:v19+s2+$0x0], $0xffff;
	v19 =	vmul.f32 v31, v21  }
0x16a: {  	v12 =	vadd.f32 v28, v12;
	v23 =	vsub.f32 v23, v30;
	v28 =	vmul.f32 v15, v13;
	v17 =	vld.idx.msk [tilespmem:v17+s2+$0x0], $0xffff  }
0x16b: {  	v24 =	vmul.f32 v33, v24;
	v27 =	vsub.f32 v27, v35;
	v30 =	vld.idx.msk [tilespmem:v20+s2+$0x0], $0xffff;
	v20 =	vmul.f32 v31, v19  }
0x16c: {  	v33 =	vmul.f32 v25, v4;
	v34 =	vmul.f32 v23, v5;
	v19 =	vsub.f32 $2.500000000e+00, v32  }
0x16d: {  	v12 =	vadd.f32 v24, v12;
	v24 =	vmul.f32 v27, v6;
	v20 =	vsub.f32 $1.500000000e+00, v20  }
0x16e: {  	v25 =	vmul.f32 v33, v25;
	v32 =	vmul.f32 v34, v23;
	v29 =	vsub.f32 v29, v22  }
.Ltmp0:
0x16f: {  	v22 =	vmul.f32 v24, v27;
	v18 =	vsub.f32 v18, v26;
	v20 =	vmul.f32 v31, v20;
	(pc) =	sbr.rel @p0 .LBB2_2-.Ltmp0, $4  }
0x170: {  	v12 =	vadd.f32 v25, v12;
	v24 =	vmul.f32 v29, v7;
	v26 =	vmul.f32 v28, v15  }
0x171: {  	s16 =	sadd.s32 $0x20, s16;
	v27 =	vmul.f32 v18, v9;
	v23 =	vsub.f32 v17, v30;
	v28 =	vmul.f32 v20, v21;
	v17 =	vpop (erf)  }
0x172: {  	v25 =	vadd.f32 v32, v12;
	v24 =	vmul.f32 v24, v29;
	v12 =	vsub.f32 $1.500000000e+00, v26;
	[tilespmem:s16+$0x0] =	vst v17  }
0x173: {  	s18 =	sadd.s32 $0x20, s18;
	v10 =	vadd.f32 $1.000000000e+00, v10;
	v17 =	vmul.f32 v27, v18;
	v26 =	vmul.f32 v28, v20  }
0x174: {  	_ = 	snop  }
0x175: {  	v0 =	vsub.f32 $1.500000000e+00, v26;
	_ =	sdelay $0x1  }
0x176: {  	v0 =	vmul.f32 v0, v20;
	_ =	sdelay $0x1  }
0x177: {  	v1 =	vmul.f32 v0, v21;
	_ =	sdelay $0x1  }
0x178: {  	v1 =	vmul.f32 v1, v0;
	_ =	sdelay $0x1  }
0x179: {  	v1 =	vsub.f32 $1.500000000e+00, v1  }
0x17a: {  	v2 =	vadd.f32 v22, v25  }
0x17b: {  	v0 =	vmul.f32 v1, v0  }
0x17c: {  	v42 =	vmul.f32 v23, v8;
	v2 =	vadd.f32 v24, v2  }
0x17d: {  	v0 =	vmul.f32 v0, v14  }
0x17e: {  	v3 =	vmul.f32 $1.442695020e+00, v16;
	v2 =	vadd.f32 v17, v2;
	v1 =	vmul.f32 v42, v23  }
0x17f: {  	v4 =	vmul.f32 $1.442695020e+00, v19;
	v0 =	vmul.f32 $-3.000000000e+00, v0  }
0x180: {  	(erf) = vpow2.f32 v3;
	v1 =	vadd.f32 v1, v2  }
0x181: {  	(erf) = vpow2.f32 v4;
	v0 =	vmul.f32 $1.442695020e+00, v0  }
0x182: {  	(erf) = vrcp.f32 v10;
	v43 =	vmax.f32 v1, $1.000000000e-30  }
0x183: {  	v1 =	vshra.s32 v43, $0x1;
	v44 =	vmul.f32 $5.000000000e-01, v43;
	(erf) = vpow2.f32 v0  }
0x184: {  	v1 =	vsub.s32 $0x5F3759DF, v1  }
0x185: {  	v45 =	vmul.f32 v1, v44;
	_ =	sdelay $0x1  }
0x186: {  	v3 =	vmul.f32 v1, v45;
	_ =	sdelay $0x1  }
0x187: {  	v46 =	vpop (erf);
	v3 =	vsub.f32 $1.500000000e+00, v3  }
0x188: {  	v5 =	vpop (erf)  }
0x189: {  	v6 =	vpop (erf);
	v1 =	vmul.f32 v1, v3  }
0x18a: {  	v7 =	vpop (erf)  }
0x18b: {  	v48 =	vmul.f32 v1, v44;
	v47 =	vmul.f32 $5.000000000e+00, v7;
	_ =	sdelay $0x1  }
0x18c: {  	v7 =	vmul.f32 v48, v1;
	v3 =	vsub.f32 $2.500000000e+00, v47  }
0x18d: {  	v49 =	vmul.f32 v12, v15  }
0x18e: {  	v7 =	vsub.f32 $1.500000000e+00, v7;
	v3 =	vmul.f32 $1.442695020e+00, v3  }
0x18f: {  	v9 =	vmul.f32 v49, v13  }
0x190: {  	v1 =	vmul.f32 v7, v1;
	(erf) = vpow2.f32 v3  }
0x191: {  	v50 =	vmul.f32 v9, v49  }
0x192: {  	v2 =	vmul.f32 v1, v44  }
0x193: {  	v3 =	vsub.f32 $1.500000000e+00, v50  }
0x194: {  	v2 =	vmul.f32 v2, v1  }
0x195: {  	v3 =	vmul.f32 v3, v49  }
0x196: {  	v2 =	vsub.f32 $1.500000000e+00, v2  }
0x197: {  	v4 =	vmul.f32 $5.000000000e+00, v46;
	v3 =	vmul.f32 v3, v11  }
0x198: {  	v1 =	vmul.f32 v2, v1  }
0x199: {  	v4 =	vsub.f32 $2.500000000e+00, v4;
	v52 =	vmul.f32 $-3.000000000e+00, v3;
	v51 =	vpop (erf)  }
0x19a: {  	v0 =	vmul.f32 v1, v43;
	v53 =	vadd.f32 $1.000000000e+00, v51  }
0x19b: {  	v55 =	vmul.f32 $1.442695020e+00, v4;
	v54 =	vmul.f32 $1.442695020e+00, v52  }
0x19c: {  	v0 =	vmul.f32 $-3.000000000e+00, v0;
	(erf) = vrcp.f32 v53  }
0x19d: {  	v56 =	vadd.f32 $1.000000000e+00, v5;
	(erf) = vpow2.f32 v54  }
0x19e: {  	v0 =	vmul.f32 $1.442695020e+00, v0;
	(erf) = vpow2.f32 v55  }
0x19f: {  	(erf) = vrcp.f32 v56  }
0x1a0: {  	(erf) = vpow2.f32 v0;
	_ =	sdelay $0x4  }
0x1a1: {  	v57 =	vpop (erf)  }
0x1a2: {  	v1 =	vpop (erf)  }
0x1a3: {  	v2 =	vpop (erf)  }
0x1a4: {  	v1 =	vmul.f32 $5.000000000e+00, v1;
	v3 =	vpop (erf)  }
0x1a5: {  	v58 =	vpop (erf)  }
0x1a6: {  	v1 =	vsub.f32 $2.500000000e+00, v1;
	v4 =	vmul.f32 $5.000000000e+00, v58;
	_ =	sdelay $0x1  }
0x1a7: {  	v1 =	vmul.f32 $1.442695020e+00, v1;
	v4 =	vsub.f32 $2.500000000e+00, v4  }
0x1a8: {  	v2 =	vadd.f32 $1.000000000e+00, v2  }
0x1a9: {  	(erf) = vpow2.f32 v1;
	v59 =	vmul.f32 $1.442695020e+00, v4  }
0x1aa: {  	(erf) = vrcp.f32 v2  }
0x1ab: {  	(erf) = vpow2.f32 v59;
	_ =	sdelay $0x6  }
0x1ac: {  	v60 =	vpop (erf)  }
0x1ad: {  	v2 =	vpop (erf)  }
0x1ae: {  	v1 =	vadd.f32 $1.000000000e+00, v60;
	v61 =	vpop (erf)  }
0x1af: {  	v4 =	vadd.f32 $1.000000000e+00, v61  }
0x1b0: {  	(erf) = vrcp.f32 v1  }
0x1b1: {  	(erf) = vrcp.f32 v4;
	_ =	sdelay $0x4  }
0x1b2: {  	s31 =	sadd.s32 $0x20, s16;
	[tilespmem:s13+$0xFFFFFFF0] =	vst v6  }
0x1b3: {  	[tilespmem:s31+$0x0] =	vst v57  }
0x1b4: {  	[tilespmem:s14+$0xFFFFFFF0] =	vst v3  }
0x1b5: {  	s12 =	sadd.s32 $0x1, s12;
	[tilespmem:s15+$0xFFFFFFF0] =	vst v2;
	v62 =	vpop (erf)  }
0x1b6: {  	p0 =	sne.s32 s12, s6;
	[tilespmem:s16+$0xFFFFFFF0] =	vst v62;
	v63 =	vpop (erf)  }
.Ltmp1:
0x1b7: {  	[tilespmem:s31+$0xFFFFFFF0] =	vst v63;
	(pc) =	sbr.rel @p0 .LBB2_1-.Ltmp1, $4  }
0x1b8: {  	[hbm4b:s5+s2] =	stream.linear.scatter [tilespmem:s10], [sflag:$0x3], $0x200, $0x38;
	[tilespmem:$0x700] =	vst v63  }
0x1b9: {  	_ =	swait.ge [sflag:s11], $0x200  }
0x1ba: {  	[sflag:s11] =	ssyncset.done $0x0  }
0x1bb: {  	[sflag:s11] =	ssyncadd.s32 $0xFFFFFE00  }
0x1bc: {  	_ =	sfence.sel $0x180000  }
0x1bd: {  	[bflag:$0x0] =	sbarrier.arrive $0xFFFF  }
0x1be: {  	p0 =	sne.s32 s1, $0x0;
	_ =	strace $0x90000047  }
0x1bf: {  	s0 =	sadd.s32 @!p0 $0x100000, s0;
	[bflag:$0x2] =	sbarrier.arrive $0xFFFF  }
0x1c0: {  	[sflag:s0] =	ssyncadd.tile.s32 @!p0 $0x1;
	_ =	shalt  }
.Lfunc_end2:
_tile_overlayer_lowered:
.L_overlay_start_2:
0x1c1: {  	(tag) =	ssettag $0x2  }
0x1c2: {  	s0 =	rddreg [dreg:$0x0];
	s2 =	stileid.u32  }
0x1c3: {  	s1 =	rddreg [dreg:$0x1];
	p0 =	sne.s32 s2, $0x0  }
0x1c4: {  	s3 =	rddreg [dreg:$0x2];
	[bflag:$0x3] =	sbarrier.arrive $0xFFFF;
	s2 =	simm.s32 @!p0 $0x1C03  }
0x1c5: {  	[timem:s3], [sflag:s2] =	dma.local @!p0 [hbm:s0], s1  }
0x1c6: {  	s0 =	simm.s32 @!p0 $0x3  }
0x1c7: {  	_ =	swait.ge @!p0 [sflag:s0], s1  }
0x1c8: {  	s1 =	ssub.s32 @!p0 $0x0, s1;
	[sflag:s0] =	ssyncset.done @!p0 $0x0  }
0x1c9: {  	[sflag:s0] =	ssyncadd.s32 @!p0 s1  }
0x1ca: {  	[bflag:$0x3] =	sbarrier.arrive $0xFFFF  }
0x1cb: {  	_ =	shalt  }

</sc_bundles>
